<compile_context>
chip_gen: v7x
topology: tpu7x:2x2x1
jax: 0.10.2.dev20260603
libtpu: 0.0.44.dev20260713+nightly
codegen_flags: <defaults>
</compile_context>

<pallas_src>
import functools

import jax
import jax.numpy as jnp
from jax import lax
from jax.experimental import pallas as pl
from jax.experimental.pallas import tpu as pltpu
from jax.experimental.pallas import tpu_sc as plsc

N = 10000
E = 320000
NC = 2
NS = 16
NW = NC * NS
C = 80
EPS = E // NS
EPSP = EPS
NCHS = EPSP // C
PAD_DST = 10016
NPAD = 10240
NPT = NPAD // NS
ZR = 128


def _zero_fill(zbuf, acc, s, d):

    def zrow(r, _):
        for kk in range(d // 16):
            zbuf[r, pl.ds(kk * 16, 16)] = jnp.zeros((16,), jnp.float32)
        return 0

    lax.fori_loop(0, ZR, zrow, 0)

    def zcp(t, _):
        pltpu.sync_copy(zbuf, acc.at[pl.ds(s * NPT + t * ZR, ZR)])
        return 0

    lax.fori_loop(0, NPT // ZR, zcp, 0)


def _pipeline(run_chunks, hs_hbm, src_v, dst_v, b0, b1, acc, g0, g1):

    def fire(j, buf, sem):
        pltpu.async_copy(hs_hbm.at[src_v.at[j]], buf, sem)

    def drain(j, buf, sem):
        pltpu.make_async_copy(hs_hbm.at[src_v.at[j]], buf, sem).wait()
        pltpu.sync_copy(buf, acc.at[dst_v.at[j]], add=True)

    fire(0, b0, g0)
    fire(1, b1, g1)

    def pair(i, _):
        drain(2 * i, b0, g0)
        fire(2 * i + 2, b0, g0)
        drain(2 * i + 1, b1, g1)
        fire(2 * i + 3, b1, g1)
        return 0

    lax.fori_loop(0, run_chunks // 2 - 1, pair, 0)
    drain(run_chunks - 2, b0, g0)
    drain(run_chunks - 1, b1, g1)


def _make_deg():
    mesh = plsc.VectorSubcoreMesh(core_axis_name="c", subcore_axis_name="s")

    @functools.partial(
        pl.kernel,
        out_type=jax.ShapeDtypeStruct((NC * NPAD, 16), jnp.float32),
        mesh=mesh,
        scratch_types=[
            pltpu.VMEM((NCHS, C), jnp.int32),
            pltpu.VMEM((C, 16), jnp.float32),
            pltpu.VMEM((ZR, 16), jnp.float32),
            pltpu.VMEM_SHARED((NPAD, 16), jnp.float32),
        ],
        compiler_params=pltpu.CompilerParams(use_tc_tiling_on_sc=False),
    )
    def deg(eidx_hbm, out_hbm, dst_v, ones_v, zbuf, acc):
        c = lax.axis_index("c")
        s = lax.axis_index("s")
        pltpu.sync_copy(eidx_hbm.at[1, s], dst_v)

        def orow(r, _):
            ones_v[r, :] = jnp.ones((16,), jnp.float32)
            return 0

        lax.fori_loop(0, C, orow, 0)
        _zero_fill(zbuf, acc, s, 16)
        plsc.subcore_barrier()

        base = c * (NCHS // 2)

        def chunk(j, _):
            pltpu.sync_copy(ones_v, acc.at[dst_v.at[base + j]], add=True)
            return 0

        lax.fori_loop(0, NCHS // 2, chunk, 0)
        plsc.subcore_barrier()
        pltpu.sync_copy(
            acc.at[pl.ds(s * NPT, NPT)],
            out_hbm.at[pl.ds(c * NPAD + s * NPT, NPT)],
        )

    return deg


def _make_agg_cols(dh):
    mesh = plsc.VectorSubcoreMesh(core_axis_name="c", subcore_axis_name="s")

    @functools.partial(
        pl.kernel,
        out_type=jax.ShapeDtypeStruct((NC * NPAD, dh), jnp.float32),
        mesh=mesh,
        scratch_types=[
            pltpu.VMEM((NCHS, C), jnp.int32),
            pltpu.VMEM((NCHS, C), jnp.int32),
            pltpu.VMEM((C, dh), jnp.float32),
            pltpu.VMEM((C, dh), jnp.float32),
            pltpu.VMEM((ZR, dh), jnp.float32),
            pltpu.VMEM_SHARED((NPAD, dh), jnp.float32),
            pltpu.SemaphoreType.DMA,
            pltpu.SemaphoreType.DMA,
        ],
        compiler_params=pltpu.CompilerParams(use_tc_tiling_on_sc=False),
    )
    def agg(hsa_hbm, hsb_hbm, eidx_hbm, out_hbm,
            src_v, dst_v, b0, b1, zbuf, acc, g0, g1):
        c = lax.axis_index("c")
        s = lax.axis_index("s")
        pltpu.sync_copy(eidx_hbm.at[0, s], src_v)
        pltpu.sync_copy(eidx_hbm.at[1, s], dst_v)
        _zero_fill(zbuf, acc, s, dh)
        plsc.subcore_barrier()

        @pl.when(c == 0)
        def _():
            _pipeline(NCHS, hsa_hbm, src_v, dst_v, b0, b1, acc, g0, g1)

        @pl.when(c == 1)
        def _():
            _pipeline(NCHS, hsb_hbm, src_v, dst_v, b0, b1, acc, g0, g1)

        plsc.subcore_barrier()
        pltpu.sync_copy(
            acc.at[pl.ds(s * NPT, NPT)],
            out_hbm.at[pl.ds(c * NPAD + s * NPT, NPT)],
        )

    return agg


_deg_kernel = _make_deg()
_agg_l1 = _make_agg_cols(32)
_agg_l2 = _make_agg_cols(64)



_R = 5120
_G = NPAD // _R


def _tc1_body(c0, c1, x_ref, w1, dinv_ref, hsa_ref, hsb_ref):
    deg = c0[:, 0:1] + c1[:, 0:1] + 1.0
    dinv = lax.rsqrt(deg)
    h = jnp.dot(x_ref[...], w1[...], preferred_element_type=jnp.float32)
    hs = h * dinv
    dinv_ref[...] = dinv
    hsa_ref[...] = hs[:, :32]
    hsb_ref[...] = hs[:, 32:]


def _tc1(counts, x, w1):
    return pl.pallas_call(
        _tc1_body,
        grid=(_G,),
        in_specs=[
            pl.BlockSpec((_R, 16), lambda i: (i, 0)),
            pl.BlockSpec((_R, 16), lambda i: (i + _G, 0)),
            pl.BlockSpec((_R, 128), lambda i: (i, 0)),
            pl.BlockSpec((128, 64), lambda i: (0, 0)),
        ],
        out_specs=[
            pl.BlockSpec((_R, 1), lambda i: (i, 0)),
            pl.BlockSpec((_R, 32), lambda i: (i, 0)),
            pl.BlockSpec((_R, 32), lambda i: (i, 0)),
        ],
        out_shape=[
            jax.ShapeDtypeStruct((NPAD, 1), jnp.float32),
            jax.ShapeDtypeStruct((NPAD, 32), jnp.float32),
            jax.ShapeDtypeStruct((NPAD, 32), jnp.float32),
        ],
    )(counts, counts, x, w1)


def _tc2_body(ua, ub, hsa, hsb, dinv_ref, b1, w2, hs2a_ref, hs2b_ref):
    dinv = dinv_ref[...]
    u = jnp.concatenate([ua[...], ub[...]], axis=1)
    hs = jnp.concatenate([hsa[...], hsb[...]], axis=1)
    a = dinv * (u + hs) + b1[...]
    r = jnp.maximum(a, 0.0)
    h2 = jnp.dot(r, w2[...], preferred_element_type=jnp.float32)
    hs2 = h2 * dinv
    hs2a_ref[...] = hs2[:, :64]
    hs2b_ref[...] = hs2[:, 64:]


def _tc2(u, hsa, hsb, dinv, b1, w2):
    return pl.pallas_call(
        _tc2_body,
        grid=(_G,),
        in_specs=[
            pl.BlockSpec((_R, 32), lambda i: (i, 0)),
            pl.BlockSpec((_R, 32), lambda i: (i + _G, 0)),
            pl.BlockSpec((_R, 32), lambda i: (i, 0)),
            pl.BlockSpec((_R, 32), lambda i: (i, 0)),
            pl.BlockSpec((_R, 1), lambda i: (i, 0)),
            pl.BlockSpec((1, 64), lambda i: (0, 0)),
            pl.BlockSpec((64, 128), lambda i: (0, 0)),
        ],
        out_specs=[
            pl.BlockSpec((_R, 64), lambda i: (i, 0)),
            pl.BlockSpec((_R, 64), lambda i: (i, 0)),
        ],
        out_shape=[
            jax.ShapeDtypeStruct((NPAD, 64), jnp.float32),
            jax.ShapeDtypeStruct((NPAD, 64), jnp.float32),
        ],
    )(u, u, hsa, hsb, dinv, b1, w2)


def _tc3_body(ua, ub, hsa, hsb, dinv_ref, b2, wfc, bfc, out_ref):
    dinv = dinv_ref[...]
    u = jnp.concatenate([ua[...], ub[...]], axis=1)
    hs = jnp.concatenate([hsa[...], hsb[...]], axis=1)
    a = dinv * (u + hs) + b2[...]
    r = jnp.maximum(a, 0.0)
    out_ref[...] = jnp.dot(r, wfc[...], preferred_element_type=jnp.float32) + bfc[...]


def _tc3(u, hsa, hsb, dinv, b2, wfc, bfc):
    return pl.pallas_call(
        _tc3_body,
        grid=(_G,),
        in_specs=[
            pl.BlockSpec((_R, 64), lambda i: (i, 0)),
            pl.BlockSpec((_R, 64), lambda i: (i + _G, 0)),
            pl.BlockSpec((_R, 64), lambda i: (i, 0)),
            pl.BlockSpec((_R, 64), lambda i: (i, 0)),
            pl.BlockSpec((_R, 1), lambda i: (i, 0)),
            pl.BlockSpec((1, 128), lambda i: (0, 0)),
            pl.BlockSpec((128, 1), lambda i: (0, 0)),
            pl.BlockSpec((1, 1), lambda i: (0, 0)),
        ],
        out_specs=pl.BlockSpec((_R, 1), lambda i: (i, 0)),
        out_shape=jax.ShapeDtypeStruct((NPAD, 1), jnp.float32),
    )(u, u, hsa, hsb, dinv, b2, wfc, bfc)


def kernel(x, edge_index, W1, b1, W2, b2, Wfc, bfc):
    ei = edge_index.astype(jnp.int32).reshape(2, NS, EPS)
    if EPSP == EPS:
        eidx = ei.reshape(2, NS, NCHS, C)
    else:
        srcp = jnp.pad(ei[0], ((0, 0), (0, EPSP - EPS)))
        dstp = jnp.pad(ei[1], ((0, 0), (0, EPSP - EPS)),
                       constant_values=PAD_DST)
        eidx = jnp.stack([srcp, dstp]).reshape(2, NS, NCHS, C)

    counts = _deg_kernel(eidx)
    dinv, hsa, hsb = _tc1(counts, x, W1)
    u1 = _agg_l1(hsa, hsb, eidx)
    hs2a, hs2b = _tc2(u1, hsa, hsb, dinv, b1.reshape(1, 64), W2)
    u2 = _agg_l2(hs2a, hs2b, eidx)
    outp = _tc3(u2, hs2a, hs2b, dinv, b2.reshape(1, 128), Wfc, bfc.reshape(1, 1))
    return outp[:N]

# --- scband reference (transcript-rebuilt; emitter-appended) ---
"""Pipeline reference for scband-gnnmodel-21655225106942 (READ-ONLY COPY).

The authoritative reference and input builder live on the scoring server;
editing this copy changes nothing except your own understanding.
"""

import jax, jax.numpy as jnp
import numpy as np

N_NODES = 10000
N_EDGES = 320000
D_IN = 128
D_HID = 64
D_OUT = 128


def gcn_conv(x, edge_index, W, b):
    n = x.shape[0]
    h = x @ W
    src = edge_index[0]
    dst = edge_index[1]
    # add self loops (GCNConv default add_self_loops=True)
    loop = jnp.arange(n, dtype=src.dtype)
    src = jnp.concatenate([src, loop])
    dst = jnp.concatenate([dst, loop])
    # symmetric normalization D^{-1/2} (A+I) D^{-1/2}
    deg = jnp.zeros((n,), dtype=h.dtype).at[dst].add(1.0)
    dinv = jax.lax.rsqrt(jnp.clip(deg, 1.0))
    norm = dinv[src] * dinv[dst]
    msg = h[src] * norm[:, None]
    out = jnp.zeros((n, W.shape[1]), dtype=h.dtype).at[dst].add(msg)
    return out + b


def setup_inputs(seed: int = 0) -> dict:
    key = jax.random.key(seed)
    k = jax.random.split(key, 8)
    x = jax.random.normal(k[0], (N_NODES, D_IN), dtype=jnp.float32)
    edge_index = jax.random.randint(k[1], (2, N_EDGES), 0, N_NODES, dtype=jnp.int64)
    W1 = jax.random.normal(k[2], (D_IN, D_HID), dtype=jnp.float32) / np.sqrt(D_IN)
    b1 = jnp.zeros((D_HID,), dtype=jnp.float32)
    W2 = jax.random.normal(k[3], (D_HID, D_OUT), dtype=jnp.float32) / np.sqrt(D_HID)
    b2 = jnp.zeros((D_OUT,), dtype=jnp.float32)
    Wfc = jax.random.normal(k[4], (D_OUT, 1), dtype=jnp.float32) / np.sqrt(D_OUT)
    bfc = jnp.zeros((1,), dtype=jnp.float32)
    return {"x": x, "edge_index": edge_index, "W1": W1, "b1": b1, "W2": W2, "b2": b2, "Wfc": Wfc, "bfc": bfc}


def reference(x, edge_index, W1, b1, W2, b2, Wfc, bfc):
    h = gcn_conv(x, edge_index, W1, b1)
    h = jax.nn.relu(h)
    h = gcn_conv(h, edge_index, W2, b2)
    h = jax.nn.relu(h)
    out = h @ Wfc + bfc
    return out

if __name__ == "__main__":
    import jax
    _d = setup_inputs()
    print(jax.jit(kernel)(*tuple(_d.values())))

</pallas_src>

<mosaic_0001>
#map = affine_map<(d0, d1) -> (0, 0)>
#map1 = affine_map<(d0, d1) -> (0, 0, 0, 0)>
module attributes {stable_mosaic.version = 14 : i64} {
  func.func @agg(%arg0: i32, %arg1: i32, %arg2: memref<10240x64xf32, #tpu.memory_space<hbm>>, %arg3: memref<10240x64xf32, #tpu.memory_space<hbm>>, %arg4: memref<2x16x250x80xi32, #tpu.memory_space<hbm>>, %arg5: memref<20480x64xf32, #tpu.memory_space<hbm>>, %arg6: memref<250x80xi32, #tpu.memory_space<vmem>>, %arg7: memref<250x80xi32, #tpu.memory_space<vmem>>, %arg8: memref<80x64xf32, #tpu.memory_space<vmem>>, %arg9: memref<80x64xf32, #tpu.memory_space<vmem>>, %arg10: memref<128x64xf32, #tpu.memory_space<vmem>>, %arg11: memref<10240x64xf32, #tpu.memory_space<vmem_shared>>, %arg12: memref<!tpu.dma_semaphore, #tpu.memory_space<semaphore_mem>>, %arg13: memref<!tpu.dma_semaphore, #tpu.memory_space<semaphore_mem>>) attributes {dimension_semantics = [#tpu.dimension_semantics<core_parallel>, #tpu.dimension_semantics<subcore_parallel>], iteration_bounds = array<i64: 2, 16>, scalar_prefetch = 0 : i64, scratch_operands = 8 : i64, tpu.core_type = #tpu.core_type<sc_vector_subcore>, window_params = [{transform_indices = #map}, {transform_indices = #map}, {transform_indices = #map1}, {transform_indices = #map}]} {
    %run_scoped3A = arith.constant 0 : i32
    "tpu.region"() ({
      %run_scoped3A_27 = tpu.sem_alloc : memref<!tpu.dma_semaphore, #tpu.memory_space<semaphore_mem>>
      %dma_start3A = arith.constant 0 : i32
      %dma_start3A_28 = arith.constant 0 : i32
      %dma_start3A_29 = tpu.memref_slice %arg4[%run_scoped3A, %arg1, %dma_start3A, %dma_start3A_28] : memref<2x16x250x80xi32, #tpu.memory_space<hbm>> -> memref<1x1x250x80xi32, #tpu.memory_space<hbm>>
      %dma_start3A_30 = tpu.memref_squeeze %dma_start3A_29 : memref<1x1x250x80xi32, #tpu.memory_space<hbm>> -> memref<250x80xi32, #tpu.memory_space<hbm>>
      %dma_start3A_31 = arith.constant 0 : i32
      %dma_start3A_32 = arith.constant 0 : i32
      %dma_start3A_33 = tpu.memref_slice %arg4[%run_scoped3A, %arg1, %dma_start3A_31, %dma_start3A_32] : memref<2x16x250x80xi32, #tpu.memory_space<hbm>> -> memref<1x1x250x80xi32, #tpu.memory_space<hbm>>
      %dma_start3A_34 = tpu.memref_squeeze %dma_start3A_33 : memref<1x1x250x80xi32, #tpu.memory_space<hbm>> -> memref<250x80xi32, #tpu.memory_space<hbm>>
      tpu.enqueue_dma source(%dma_start3A_34 : memref<250x80xi32, #tpu.memory_space<hbm>>) target(%arg6 : memref<250x80xi32, #tpu.memory_space<vmem>>) target_semaphore(%run_scoped3A_27 : memref<!tpu.dma_semaphore, #tpu.memory_space<semaphore_mem>>)
      %dma_wait3A = arith.constant 0 : i32
      %dma_wait3A_35 = arith.constant 0 : i32
      %dma_wait3A_36 = tpu.memref_slice %arg4[%run_scoped3A, %arg1, %dma_wait3A, %dma_wait3A_35] : memref<2x16x250x80xi32, #tpu.memory_space<hbm>> -> memref<1x1x250x80xi32, #tpu.memory_space<hbm>>
      %dma_wait3A_37 = tpu.memref_squeeze %dma_wait3A_36 : memref<1x1x250x80xi32, #tpu.memory_space<hbm>> -> memref<250x80xi32, #tpu.memory_space<hbm>>
      %dma_wait3A_38 = arith.constant 0 : i32
      %dma_wait3A_39 = arith.constant 0 : i32
      %dma_wait3A_40 = tpu.memref_slice %arg4[%run_scoped3A, %arg1, %dma_wait3A_38, %dma_wait3A_39] : memref<2x16x250x80xi32, #tpu.memory_space<hbm>> -> memref<1x1x250x80xi32, #tpu.memory_space<hbm>>
      %dma_wait3A_41 = tpu.memref_squeeze %dma_wait3A_40 : memref<1x1x250x80xi32, #tpu.memory_space<hbm>> -> memref<250x80xi32, #tpu.memory_space<hbm>>
      tpu.wait_dma2 semaphore(%run_scoped3A_27 : memref<!tpu.dma_semaphore, #tpu.memory_space<semaphore_mem>>) src(%dma_wait3A_41 : memref<250x80xi32, #tpu.memory_space<hbm>>) dst(%arg6 : memref<250x80xi32, #tpu.memory_space<vmem>>)
      tpu.yield
    }) : () -> ()
    %run_scoped3A_0 = arith.constant 1 : i32
    "tpu.region"() ({
      %run_scoped3A_27 = tpu.sem_alloc : memref<!tpu.dma_semaphore, #tpu.memory_space<semaphore_mem>>
      %dma_start3A = arith.constant 0 : i32
      %dma_start3A_28 = arith.constant 0 : i32
      %dma_start3A_29 = tpu.memref_slice %arg4[%run_scoped3A_0, %arg1, %dma_start3A, %dma_start3A_28] : memref<2x16x250x80xi32, #tpu.memory_space<hbm>> -> memref<1x1x250x80xi32, #tpu.memory_space<hbm>>
      %dma_start3A_30 = tpu.memref_squeeze %dma_start3A_29 : memref<1x1x250x80xi32, #tpu.memory_space<hbm>> -> memref<250x80xi32, #tpu.memory_space<hbm>>
      %dma_start3A_31 = arith.constant 0 : i32
      %dma_start3A_32 = arith.constant 0 : i32
      %dma_start3A_33 = tpu.memref_slice %arg4[%run_scoped3A_0, %arg1, %dma_start3A_31, %dma_start3A_32] : memref<2x16x250x80xi32, #tpu.memory_space<hbm>> -> memref<1x1x250x80xi32, #tpu.memory_space<hbm>>
      %dma_start3A_34 = tpu.memref_squeeze %dma_start3A_33 : memref<1x1x250x80xi32, #tpu.memory_space<hbm>> -> memref<250x80xi32, #tpu.memory_space<hbm>>
      tpu.enqueue_dma source(%dma_start3A_34 : memref<250x80xi32, #tpu.memory_space<hbm>>) target(%arg7 : memref<250x80xi32, #tpu.memory_space<vmem>>) target_semaphore(%run_scoped3A_27 : memref<!tpu.dma_semaphore, #tpu.memory_space<semaphore_mem>>)
      %dma_wait3A = arith.constant 0 : i32
      %dma_wait3A_35 = arith.constant 0 : i32
      %dma_wait3A_36 = tpu.memref_slice %arg4[%run_scoped3A_0, %arg1, %dma_wait3A, %dma_wait3A_35] : memref<2x16x250x80xi32, #tpu.memory_space<hbm>> -> memref<1x1x250x80xi32, #tpu.memory_space<hbm>>
      %dma_wait3A_37 = tpu.memref_squeeze %dma_wait3A_36 : memref<1x1x250x80xi32, #tpu.memory_space<hbm>> -> memref<250x80xi32, #tpu.memory_space<hbm>>
      %dma_wait3A_38 = arith.constant 0 : i32
      %dma_wait3A_39 = arith.constant 0 : i32
      %dma_wait3A_40 = tpu.memref_slice %arg4[%run_scoped3A_0, %arg1, %dma_wait3A_38, %dma_wait3A_39] : memref<2x16x250x80xi32, #tpu.memory_space<hbm>> -> memref<1x1x250x80xi32, #tpu.memory_space<hbm>>
      %dma_wait3A_41 = tpu.memref_squeeze %dma_wait3A_40 : memref<1x1x250x80xi32, #tpu.memory_space<hbm>> -> memref<250x80xi32, #tpu.memory_space<hbm>>
      tpu.wait_dma2 semaphore(%run_scoped3A_27 : memref<!tpu.dma_semaphore, #tpu.memory_space<semaphore_mem>>) src(%dma_wait3A_41 : memref<250x80xi32, #tpu.memory_space<hbm>>) dst(%arg7 : memref<250x80xi32, #tpu.memory_space<vmem>>)
      tpu.yield
    }) : () -> ()
    %scan3A = arith.constant 0 : i32
    %scan3A_1 = arith.constant 0 : i32
    %scan3A_2 = arith.constant 128 : i32
    %scan3A_3 = arith.addi %scan3A_1, %scan3A_2 : i32
    %scan3A_4 = arith.constant 1 : i32
    %scan3A_5 = scf.for %scan3A_27 = %scan3A_1 to %scan3A_3 step %scan3A_4 iter_args(%scan3A_28 = %scan3A) -> (i32)  : i32 {
      %broadcast_in_dim3A = arith.constant 0.000000e+00 : f32
      %broadcast_in_dim3A_29 = vector.broadcast %broadcast_in_dim3A : f32 to vector<16xf32>
      %swap3A = arith.index_cast %scan3A_27 : i32 to index
      %swap3A_30 = arith.constant 0 : index
      %swap3A_31 = tpu.vector_load %arg10[%swap3A, %swap3A_30] {strides = array<i32>} : memref<128x64xf32, #tpu.memory_space<vmem>>, vector<1x16xf32>,
      %swap3A_32 = vector.shape_cast %swap3A_31 : vector<1x16xf32> to vector<16xf32>
      %swap3A_33 = vector.shape_cast %broadcast_in_dim3A_29 : vector<16xf32> to vector<1x16xf32>
      tpu.vector_store %arg10[%swap3A, %swap3A_30], %swap3A_33 {strides = array<i32>} : memref<128x64xf32, #tpu.memory_space<vmem>>, vector<1x16xf32>,
      %broadcast_in_dim3A_34 = arith.constant 0.000000e+00 : f32
      %broadcast_in_dim3A_35 = vector.broadcast %broadcast_in_dim3A_34 : f32 to vector<16xf32>
      %swap3A_36 = arith.index_cast %scan3A_27 : i32 to index
      %swap3A_37 = arith.constant 16 : index
      %swap3A_38 = tpu.vector_load %arg10[%swap3A_36, %swap3A_37] {strides = array<i32>} : memref<128x64xf32, #tpu.memory_space<vmem>>, vector<1x16xf32>,
      %swap3A_39 = vector.shape_cast %swap3A_38 : vector<1x16xf32> to vector<16xf32>
      %swap3A_40 = vector.shape_cast %broadcast_in_dim3A_35 : vector<16xf32> to vector<1x16xf32>
      tpu.vector_store %arg10[%swap3A_36, %swap3A_37], %swap3A_40 {strides = array<i32>} : memref<128x64xf32, #tpu.memory_space<vmem>>, vector<1x16xf32>,
      %broadcast_in_dim3A_41 = arith.constant 0.000000e+00 : f32
      %broadcast_in_dim3A_42 = vector.broadcast %broadcast_in_dim3A_41 : f32 to vector<16xf32>
      %swap3A_43 = arith.index_cast %scan3A_27 : i32 to index
      %swap3A_44 = arith.constant 32 : index
      %swap3A_45 = tpu.vector_load %arg10[%swap3A_43, %swap3A_44] {strides = array<i32>} : memref<128x64xf32, #tpu.memory_space<vmem>>, vector<1x16xf32>,
      %swap3A_46 = vector.shape_cast %swap3A_45 : vector<1x16xf32> to vector<16xf32>
      %swap3A_47 = vector.shape_cast %broadcast_in_dim3A_42 : vector<16xf32> to vector<1x16xf32>
      tpu.vector_store %arg10[%swap3A_43, %swap3A_44], %swap3A_47 {strides = array<i32>} : memref<128x64xf32, #tpu.memory_space<vmem>>, vector<1x16xf32>,
      %broadcast_in_dim3A_48 = arith.constant 0.000000e+00 : f32
      %broadcast_in_dim3A_49 = vector.broadcast %broadcast_in_dim3A_48 : f32 to vector<16xf32>
      %swap3A_50 = arith.index_cast %scan3A_27 : i32 to index
      %swap3A_51 = arith.constant 48 : index
      %swap3A_52 = tpu.vector_load %arg10[%swap3A_50, %swap3A_51] {strides = array<i32>} : memref<128x64xf32, #tpu.memory_space<vmem>>, vector<1x16xf32>,
      %swap3A_53 = vector.shape_cast %swap3A_52 : vector<1x16xf32> to vector<16xf32>
      %swap3A_54 = vector.shape_cast %broadcast_in_dim3A_49 : vector<16xf32> to vector<1x16xf32>
      tpu.vector_store %arg10[%swap3A_50, %swap3A_51], %swap3A_54 {strides = array<i32>} : memref<128x64xf32, #tpu.memory_space<vmem>>, vector<1x16xf32>,
      %scan3A_55 = arith.constant 0 : i32
      scf.yield %scan3A_55 : i32
    }
    %scan3A_6 = arith.constant 128 : i32
    %scan3A_7 = arith.constant 0 : i32
    %scan3A_8 = arith.constant 0 : i32
    %scan3A_9 = arith.constant 5 : i32
    %scan3A_10 = arith.addi %scan3A_8, %scan3A_9 : i32
    %scan3A_11 = arith.constant 1 : i32
    %scan3A_12 = scf.for %scan3A_27 = %scan3A_8 to %scan3A_10 step %scan3A_11 iter_args(%scan3A_28 = %scan3A_7) -> (i32)  : i32 {
      %mul3A_29 = arith.constant 640 : i32
      %mul3A_30 = arith.muli %arg1, %mul3A_29 : i32
      %mul3A_31 = arith.constant 128 : i32
      %mul3A_32 = arith.muli %scan3A_27, %mul3A_31 : i32
      %add3A_33 = arith.addi %mul3A_30, %mul3A_32 : i32
      "tpu.region"() ({
        %run_scoped3A_35 = tpu.sem_alloc : memref<!tpu.dma_semaphore, #tpu.memory_space<semaphore_mem>>
        %dma_start3A = arith.constant 0 : i32
        %dma_start3A_36 = tpu.memref_slice %arg11[%add3A_33, %dma_start3A] : memref<10240x64xf32, #tpu.memory_space<vmem_shared>> -> memref<128x64xf32, #tpu.memory_space<vmem_shared>>
        %dma_start3A_37 = arith.constant 0 : i32
        %dma_start3A_38 = tpu.memref_slice %arg11[%add3A_33, %dma_start3A_37] : memref<10240x64xf32, #tpu.memory_space<vmem_shared>> -> memref<128x64xf32, #tpu.memory_space<vmem_shared>>
        tpu.enqueue_dma source(%arg10 : memref<128x64xf32, #tpu.memory_space<vmem>>) target(%dma_start3A_38 : memref<128x64xf32, #tpu.memory_space<vmem_shared>>) target_semaphore(%run_scoped3A_35 : memref<!tpu.dma_semaphore, #tpu.memory_space<semaphore_mem>>)
        %dma_wait3A = arith.constant 0 : i32
        %dma_wait3A_39 = tpu.memref_slice %arg11[%add3A_33, %dma_wait3A] : memref<10240x64xf32, #tpu.memory_space<vmem_shared>> -> memref<128x64xf32, #tpu.memory_space<vmem_shared>>
        %dma_wait3A_40 = arith.constant 0 : i32
        %dma_wait3A_41 = tpu.memref_slice %arg11[%add3A_33, %dma_wait3A_40] : memref<10240x64xf32, #tpu.memory_space<vmem_shared>> -> memref<128x64xf32, #tpu.memory_space<vmem_shared>>
        tpu.wait_dma2 semaphore(%run_scoped3A_35 : memref<!tpu.dma_semaphore, #tpu.memory_space<semaphore_mem>>) src(%arg10 : memref<128x64xf32, #tpu.memory_space<vmem>>) dst(%dma_wait3A_41 : memref<128x64xf32, #tpu.memory_space<vmem_shared>>)
        tpu.yield
      }) : () -> ()
      %scan3A_34 = arith.constant 0 : i32
      scf.yield %scan3A_34 : i32
    }
    %scan3A_13 = arith.constant 5 : i32
    %barrier3A = arith.constant 0 : index
    tpu.barrier barrier_id(%barrier3A)
    %eq3A = arith.constant 0 : i32
    %eq3A_14 = arith.cmpi eq, %arg0, %eq3A : i32
    %convert_element_type3A = arith.extui %eq3A_14 : i1 to i32
    %cond3A = arith.constant 0 : i32
    %cond3A_15 = arith.cmpi ne, %convert_element_type3A, %cond3A : i32
    scf.if %cond3A_15 {
      %dma_start3A = arith.constant 0 : i32
      %dma_start3A_27 = arith.constant 0 : i32
      %dma_start3A_28 = tpu.memref_slice %arg6[%dma_start3A, %dma_start3A_27] : memref<250x80xi32, #tpu.memory_space<vmem>> -> memref<1x80xi32, #tpu.memory_space<vmem>>
      %dma_start3A_29 = tpu.memref_squeeze %dma_start3A_28 : memref<1x80xi32, #tpu.memory_space<vmem>> -> memref<80xi32, #tpu.memory_space<vmem>>
      %dma_start3A_30 = arith.constant 0 : i32
      %dma_start3A_31 = arith.constant 0 : i32
      %dma_start3A_32 = tpu.memref_slice %arg2[%dma_start3A_30, %dma_start3A_31] : memref<10240x64xf32, #tpu.memory_space<hbm>> -> memref<10240x64xf32, #tpu.memory_space<hbm>>
      tpu.enqueue_indirect_dma source(%dma_start3A_32 : memref<10240x64xf32, #tpu.memory_space<hbm>>) target(%arg8 : memref<80x64xf32, #tpu.memory_space<vmem>>) offsets(%dma_start3A_29 : memref<80xi32, #tpu.memory_space<vmem>>) semaphore(%arg12 : memref<!tpu.dma_semaphore, #tpu.memory_space<semaphore_mem>>)
      %dma_start3A_33 = arith.constant 1 : i32
      %dma_start3A_34 = arith.constant 0 : i32
      %dma_start3A_35 = tpu.memref_slice %arg6[%dma_start3A_33, %dma_start3A_34] : memref<250x80xi32, #tpu.memory_space<vmem>> -> memref<1x80xi32, #tpu.memory_space<vmem>>
      %dma_start3A_36 = tpu.memref_squeeze %dma_start3A_35 : memref<1x80xi32, #tpu.memory_space<vmem>> -> memref<80xi32, #tpu.memory_space<vmem>>
      %dma_start3A_37 = arith.constant 0 : i32
      %dma_start3A_38 = arith.constant 0 : i32
      %dma_start3A_39 = tpu.memref_slice %arg2[%dma_start3A_37, %dma_start3A_38] : memref<10240x64xf32, #tpu.memory_space<hbm>> -> memref<10240x64xf32, #tpu.memory_space<hbm>>
      tpu.enqueue_indirect_dma source(%dma_start3A_39 : memref<10240x64xf32, #tpu.memory_space<hbm>>) target(%arg9 : memref<80x64xf32, #tpu.memory_space<vmem>>) offsets(%dma_start3A_36 : memref<80xi32, #tpu.memory_space<vmem>>) semaphore(%arg13 : memref<!tpu.dma_semaphore, #tpu.memory_space<semaphore_mem>>)
      %scan3A_40 = arith.constant 0 : i32
      %scan3A_41 = arith.constant 0 : i32
      %scan3A_42 = arith.constant 124 : i32
      %scan3A_43 = arith.addi %scan3A_41, %scan3A_42 : i32
      %scan3A_44 = arith.constant 1 : i32
      %scan3A_45 = scf.for %scan3A_62 = %scan3A_41 to %scan3A_43 step %scan3A_44 iter_args(%scan3A_63 = %scan3A_40) -> (i32)  : i32 {
        %mul3A_64 = arith.constant 2 : i32
        %mul3A_65 = arith.muli %mul3A_64, %scan3A_62 : i32
        %dma_wait3A_66 = arith.constant 0 : i32
        %dma_wait3A_67 = tpu.memref_slice %arg6[%mul3A_65, %dma_wait3A_66] : memref<250x80xi32, #tpu.memory_space<vmem>> -> memref<1x80xi32, #tpu.memory_space<vmem>>
        %dma_wait3A_68 = tpu.memref_squeeze %dma_wait3A_67 : memref<1x80xi32, #tpu.memory_space<vmem>> -> memref<80xi32, #tpu.memory_space<vmem>>
        %dma_wait3A_69 = arith.constant 0 : i32
        %dma_wait3A_70 = arith.constant 0 : i32
        %dma_wait3A_71 = tpu.memref_slice %arg2[%dma_wait3A_69, %dma_wait3A_70] : memref<10240x64xf32, #tpu.memory_space<hbm>> -> memref<10240x64xf32, #tpu.memory_space<hbm>>
        tpu.wait_indirect_dma semaphore(%arg12 : memref<!tpu.dma_semaphore, #tpu.memory_space<semaphore_mem>>) src(%dma_wait3A_71 : memref<10240x64xf32, #tpu.memory_space<hbm>>) dst(%arg8 : memref<80x64xf32, #tpu.memory_space<vmem>>)
        "tpu.region"() ({
          %run_scoped3A_103 = tpu.sem_alloc : memref<!tpu.dma_semaphore, #tpu.memory_space<semaphore_mem>>
          %dma_start3A_104 = arith.constant 0 : i32
          %dma_start3A_105 = tpu.memref_slice %arg7[%mul3A_65, %dma_start3A_104] : memref<250x80xi32, #tpu.memory_space<vmem>> -> memref<1x80xi32, #tpu.memory_space<vmem>>
          %dma_start3A_106 = tpu.memref_squeeze %dma_start3A_105 : memref<1x80xi32, #tpu.memory_space<vmem>> -> memref<80xi32, #tpu.memory_space<vmem>>
          %dma_start3A_107 = arith.constant 0 : i32
          %dma_start3A_108 = arith.constant 0 : i32
          %dma_start3A_109 = tpu.memref_slice %arg11[%dma_start3A_107, %dma_start3A_108] : memref<10240x64xf32, #tpu.memory_space<vmem_shared>> -> memref<10240x64xf32, #tpu.memory_space<vmem_shared>>
          tpu.enqueue_indirect_dma source(%arg8 : memref<80x64xf32, #tpu.memory_space<vmem>>) target(%dma_start3A_109 : memref<10240x64xf32, #tpu.memory_space<vmem_shared>>) offsets(%dma_start3A_106 : memref<80xi32, #tpu.memory_space<vmem>>) semaphore(%run_scoped3A_103 : memref<!tpu.dma_semaphore, #tpu.memory_space<semaphore_mem>>) {add = true}
          %dma_wait3A_110 = arith.constant 0 : i32
          %dma_wait3A_111 = tpu.memref_slice %arg7[%mul3A_65, %dma_wait3A_110] : memref<250x80xi32, #tpu.memory_space<vmem>> -> memref<1x80xi32, #tpu.memory_space<vmem>>
          %dma_wait3A_112 = tpu.memref_squeeze %dma_wait3A_111 : memref<1x80xi32, #tpu.memory_space<vmem>> -> memref<80xi32, #tpu.memory_space<vmem>>
          %dma_wait3A_113 = arith.constant 0 : i32
          %dma_wait3A_114 = arith.constant 0 : i32
          %dma_wait3A_115 = tpu.memref_slice %arg11[%dma_wait3A_113, %dma_wait3A_114] : memref<10240x64xf32, #tpu.memory_space<vmem_shared>> -> memref<10240x64xf32, #tpu.memory_space<vmem_shared>>
          tpu.wait_indirect_dma semaphore(%run_scoped3A_103 : memref<!tpu.dma_semaphore, #tpu.memory_space<semaphore_mem>>) src(%arg8 : memref<80x64xf32, #tpu.memory_space<vmem>>) dst(%dma_wait3A_115 : memref<10240x64xf32, #tpu.memory_space<vmem_shared>>)
          tpu.yield
        }) : () -> ()
        %mul3A_72 = arith.constant 2 : i32
        %mul3A_73 = arith.muli %mul3A_72, %scan3A_62 : i32
        %add3A_74 = arith.constant 2 : i32
        %add3A_75 = arith.addi %mul3A_73, %add3A_74 : i32
        %dma_start3A_76 = arith.constant 0 : i32
        %dma_start3A_77 = tpu.memref_slice %arg6[%add3A_75, %dma_start3A_76] : memref<250x80xi32, #tpu.memory_space<vmem>> -> memref<1x80xi32, #tpu.memory_space<vmem>>
        %dma_start3A_78 = tpu.memref_squeeze %dma_start3A_77 : memref<1x80xi32, #tpu.memory_space<vmem>> -> memref<80xi32, #tpu.memory_space<vmem>>
        %dma_start3A_79 = arith.constant 0 : i32
        %dma_start3A_80 = arith.constant 0 : i32
        %dma_start3A_81 = tpu.memref_slice %arg2[%dma_start3A_79, %dma_start3A_80] : memref<10240x64xf32, #tpu.memory_space<hbm>> -> memref<10240x64xf32, #tpu.memory_space<hbm>>
        tpu.enqueue_indirect_dma source(%dma_start3A_81 : memref<10240x64xf32, #tpu.memory_space<hbm>>) target(%arg8 : memref<80x64xf32, #tpu.memory_space<vmem>>) offsets(%dma_start3A_78 : memref<80xi32, #tpu.memory_space<vmem>>) semaphore(%arg12 : memref<!tpu.dma_semaphore, #tpu.memory_space<semaphore_mem>>)
        %mul3A_82 = arith.constant 2 : i32
        %mul3A_83 = arith.muli %mul3A_82, %scan3A_62 : i32
        %add3A_84 = arith.constant 1 : i32
        %add3A_85 = arith.addi %mul3A_83, %add3A_84 : i32
        %dma_wait3A_86 = arith.constant 0 : i32
        %dma_wait3A_87 = tpu.memref_slice %arg6[%add3A_85, %dma_wait3A_86] : memref<250x80xi32, #tpu.memory_space<vmem>> -> memref<1x80xi32, #tpu.memory_space<vmem>>
        %dma_wait3A_88 = tpu.memref_squeeze %dma_wait3A_87 : memref<1x80xi32, #tpu.memory_space<vmem>> -> memref<80xi32, #tpu.memory_space<vmem>>
        %dma_wait3A_89 = arith.constant 0 : i32
        %dma_wait3A_90 = arith.constant 0 : i32
        %dma_wait3A_91 = tpu.memref_slice %arg2[%dma_wait3A_89, %dma_wait3A_90] : memref<10240x64xf32, #tpu.memory_space<hbm>> -> memref<10240x64xf32, #tpu.memory_space<hbm>>
        tpu.wait_indirect_dma semaphore(%arg13 : memref<!tpu.dma_semaphore, #tpu.memory_space<semaphore_mem>>) src(%dma_wait3A_91 : memref<10240x64xf32, #tpu.memory_space<hbm>>) dst(%arg9 : memref<80x64xf32, #tpu.memory_space<vmem>>)
        "tpu.region"() ({
          %run_scoped3A_103 = tpu.sem_alloc : memref<!tpu.dma_semaphore, #tpu.memory_space<semaphore_mem>>
          %dma_start3A_104 = arith.constant 0 : i32
          %dma_start3A_105 = tpu.memref_slice %arg7[%add3A_85, %dma_start3A_104] : memref<250x80xi32, #tpu.memory_space<vmem>> -> memref<1x80xi32, #tpu.memory_space<vmem>>
          %dma_start3A_106 = tpu.memref_squeeze %dma_start3A_105 : memref<1x80xi32, #tpu.memory_space<vmem>> -> memref<80xi32, #tpu.memory_space<vmem>>
          %dma_start3A_107 = arith.constant 0 : i32
          %dma_start3A_108 = arith.constant 0 : i32
          %dma_start3A_109 = tpu.memref_slice %arg11[%dma_start3A_107, %dma_start3A_108] : memref<10240x64xf32, #tpu.memory_space<vmem_shared>> -> memref<10240x64xf32, #tpu.memory_space<vmem_shared>>
          tpu.enqueue_indirect_dma source(%arg9 : memref<80x64xf32, #tpu.memory_space<vmem>>) target(%dma_start3A_109 : memref<10240x64xf32, #tpu.memory_space<vmem_shared>>) offsets(%dma_start3A_106 : memref<80xi32, #tpu.memory_space<vmem>>) semaphore(%run_scoped3A_103 : memref<!tpu.dma_semaphore, #tpu.memory_space<semaphore_mem>>) {add = true}
          %dma_wait3A_110 = arith.constant 0 : i32
          %dma_wait3A_111 = tpu.memref_slice %arg7[%add3A_85, %dma_wait3A_110] : memref<250x80xi32, #tpu.memory_space<vmem>> -> memref<1x80xi32, #tpu.memory_space<vmem>>
          %dma_wait3A_112 = tpu.memref_squeeze %dma_wait3A_111 : memref<1x80xi32, #tpu.memory_space<vmem>> -> memref<80xi32, #tpu.memory_space<vmem>>
          %dma_wait3A_113 = arith.constant 0 : i32
          %dma_wait3A_114 = arith.constant 0 : i32
          %dma_wait3A_115 = tpu.memref_slice %arg11[%dma_wait3A_113, %dma_wait3A_114] : memref<10240x64xf32, #tpu.memory_space<vmem_shared>> -> memref<10240x64xf32, #tpu.memory_space<vmem_shared>>
          tpu.wait_indirect_dma semaphore(%run_scoped3A_103 : memref<!tpu.dma_semaphore, #tpu.memory_space<semaphore_mem>>) src(%arg9 : memref<80x64xf32, #tpu.memory_space<vmem>>) dst(%dma_wait3A_115 : memref<10240x64xf32, #tpu.memory_space<vmem_shared>>)
          tpu.yield
        }) : () -> ()
        %mul3A_92 = arith.constant 2 : i32
        %mul3A_93 = arith.muli %mul3A_92, %scan3A_62 : i32
        %add3A_94 = arith.constant 3 : i32
        %add3A_95 = arith.addi %mul3A_93, %add3A_94 : i32
        %dma_start3A_96 = arith.constant 0 : i32
        %dma_start3A_97 = tpu.memref_slice %arg6[%add3A_95, %dma_start3A_96] : memref<250x80xi32, #tpu.memory_space<vmem>> -> memref<1x80xi32, #tpu.memory_space<vmem>>
        %dma_start3A_98 = tpu.memref_squeeze %dma_start3A_97 : memref<1x80xi32, #tpu.memory_space<vmem>> -> memref<80xi32, #tpu.memory_space<vmem>>
        %dma_start3A_99 = arith.constant 0 : i32
        %dma_start3A_100 = arith.constant 0 : i32
        %dma_start3A_101 = tpu.memref_slice %arg2[%dma_start3A_99, %dma_start3A_100] : memref<10240x64xf32, #tpu.memory_space<hbm>> -> memref<10240x64xf32, #tpu.memory_space<hbm>>
        tpu.enqueue_indirect_dma source(%dma_start3A_101 : memref<10240x64xf32, #tpu.memory_space<hbm>>) target(%arg9 : memref<80x64xf32, #tpu.memory_space<vmem>>) offsets(%dma_start3A_98 : memref<80xi32, #tpu.memory_space<vmem>>) semaphore(%arg13 : memref<!tpu.dma_semaphore, #tpu.memory_space<semaphore_mem>>)
        %scan3A_102 = arith.constant 0 : i32
        scf.yield %scan3A_102 : i32
      }
      %scan3A_46 = arith.constant 124 : i32
      %dma_wait3A = arith.constant 248 : i32
      %dma_wait3A_47 = arith.constant 0 : i32
      %dma_wait3A_48 = tpu.memref_slice %arg6[%dma_wait3A, %dma_wait3A_47] : memref<250x80xi32, #tpu.memory_space<vmem>> -> memref<1x80xi32, #tpu.memory_space<vmem>>
      %dma_wait3A_49 = tpu.memref_squeeze %dma_wait3A_48 : memref<1x80xi32, #tpu.memory_space<vmem>> -> memref<80xi32, #tpu.memory_space<vmem>>
      %dma_wait3A_50 = arith.constant 0 : i32
      %dma_wait3A_51 = arith.constant 0 : i32
      %dma_wait3A_52 = tpu.memref_slice %arg2[%dma_wait3A_50, %dma_wait3A_51] : memref<10240x64xf32, #tpu.memory_space<hbm>> -> memref<10240x64xf32, #tpu.memory_space<hbm>>
      tpu.wait_indirect_dma semaphore(%arg12 : memref<!tpu.dma_semaphore, #tpu.memory_space<semaphore_mem>>) src(%dma_wait3A_52 : memref<10240x64xf32, #tpu.memory_space<hbm>>) dst(%arg8 : memref<80x64xf32, #tpu.memory_space<vmem>>)
      %run_scoped3A_53 = arith.constant 248 : i32
      "tpu.region"() ({
        %run_scoped3A_62 = tpu.sem_alloc : memref<!tpu.dma_semaphore, #tpu.memory_space<semaphore_mem>>
        %dma_start3A_63 = arith.constant 0 : i32
        %dma_start3A_64 = tpu.memref_slice %arg7[%run_scoped3A_53, %dma_start3A_63] : memref<250x80xi32, #tpu.memory_space<vmem>> -> memref<1x80xi32, #tpu.memory_space<vmem>>
        %dma_start3A_65 = tpu.memref_squeeze %dma_start3A_64 : memref<1x80xi32, #tpu.memory_space<vmem>> -> memref<80xi32, #tpu.memory_space<vmem>>
        %dma_start3A_66 = arith.constant 0 : i32
        %dma_start3A_67 = arith.constant 0 : i32
        %dma_start3A_68 = tpu.memref_slice %arg11[%dma_start3A_66, %dma_start3A_67] : memref<10240x64xf32, #tpu.memory_space<vmem_shared>> -> memref<10240x64xf32, #tpu.memory_space<vmem_shared>>
        tpu.enqueue_indirect_dma source(%arg8 : memref<80x64xf32, #tpu.memory_space<vmem>>) target(%dma_start3A_68 : memref<10240x64xf32, #tpu.memory_space<vmem_shared>>) offsets(%dma_start3A_65 : memref<80xi32, #tpu.memory_space<vmem>>) semaphore(%run_scoped3A_62 : memref<!tpu.dma_semaphore, #tpu.memory_space<semaphore_mem>>) {add = true}
        %dma_wait3A_69 = arith.constant 0 : i32
        %dma_wait3A_70 = tpu.memref_slice %arg7[%run_scoped3A_53, %dma_wait3A_69] : memref<250x80xi32, #tpu.memory_space<vmem>> -> memref<1x80xi32, #tpu.memory_space<vmem>>
        %dma_wait3A_71 = tpu.memref_squeeze %dma_wait3A_70 : memref<1x80xi32, #tpu.memory_space<vmem>> -> memref<80xi32, #tpu.memory_space<vmem>>
        %dma_wait3A_72 = arith.constant 0 : i32
        %dma_wait3A_73 = arith.constant 0 : i32
        %dma_wait3A_74 = tpu.memref_slice %arg11[%dma_wait3A_72, %dma_wait3A_73] : memref<10240x64xf32, #tpu.memory_space<vmem_shared>> -> memref<10240x64xf32, #tpu.memory_space<vmem_shared>>
        tpu.wait_indirect_dma semaphore(%run_scoped3A_62 : memref<!tpu.dma_semaphore, #tpu.memory_space<semaphore_mem>>) src(%arg8 : memref<80x64xf32, #tpu.memory_space<vmem>>) dst(%dma_wait3A_74 : memref<10240x64xf32, #tpu.memory_space<vmem_shared>>)
        tpu.yield
      }) : () -> ()
      %dma_wait3A_54 = arith.constant 249 : i32
      %dma_wait3A_55 = arith.constant 0 : i32
      %dma_wait3A_56 = tpu.memref_slice %arg6[%dma_wait3A_54, %dma_wait3A_55] : memref<250x80xi32, #tpu.memory_space<vmem>> -> memref<1x80xi32, #tpu.memory_space<vmem>>
      %dma_wait3A_57 = tpu.memref_squeeze %dma_wait3A_56 : memref<1x80xi32, #tpu.memory_space<vmem>> -> memref<80xi32, #tpu.memory_space<vmem>>
      %dma_wait3A_58 = arith.constant 0 : i32
      %dma_wait3A_59 = arith.constant 0 : i32
      %dma_wait3A_60 = tpu.memref_slice %arg2[%dma_wait3A_58, %dma_wait3A_59] : memref<10240x64xf32, #tpu.memory_space<hbm>> -> memref<10240x64xf32, #tpu.memory_space<hbm>>
      tpu.wait_indirect_dma semaphore(%arg13 : memref<!tpu.dma_semaphore, #tpu.memory_space<semaphore_mem>>) src(%dma_wait3A_60 : memref<10240x64xf32, #tpu.memory_space<hbm>>) dst(%arg9 : memref<80x64xf32, #tpu.memory_space<vmem>>)
      %run_scoped3A_61 = arith.constant 249 : i32
      "tpu.region"() ({
        %run_scoped3A_62 = tpu.sem_alloc : memref<!tpu.dma_semaphore, #tpu.memory_space<semaphore_mem>>
        %dma_start3A_63 = arith.constant 0 : i32
        %dma_start3A_64 = tpu.memref_slice %arg7[%run_scoped3A_61, %dma_start3A_63] : memref<250x80xi32, #tpu.memory_space<vmem>> -> memref<1x80xi32, #tpu.memory_space<vmem>>
        %dma_start3A_65 = tpu.memref_squeeze %dma_start3A_64 : memref<1x80xi32, #tpu.memory_space<vmem>> -> memref<80xi32, #tpu.memory_space<vmem>>
        %dma_start3A_66 = arith.constant 0 : i32
        %dma_start3A_67 = arith.constant 0 : i32
        %dma_start3A_68 = tpu.memref_slice %arg11[%dma_start3A_66, %dma_start3A_67] : memref<10240x64xf32, #tpu.memory_space<vmem_shared>> -> memref<10240x64xf32, #tpu.memory_space<vmem_shared>>
        tpu.enqueue_indirect_dma source(%arg9 : memref<80x64xf32, #tpu.memory_space<vmem>>) target(%dma_start3A_68 : memref<10240x64xf32, #tpu.memory_space<vmem_shared>>) offsets(%dma_start3A_65 : memref<80xi32, #tpu.memory_space<vmem>>) semaphore(%run_scoped3A_62 : memref<!tpu.dma_semaphore, #tpu.memory_space<semaphore_mem>>) {add = true}
        %dma_wait3A_69 = arith.constant 0 : i32
        %dma_wait3A_70 = tpu.memref_slice %arg7[%run_scoped3A_61, %dma_wait3A_69] : memref<250x80xi32, #tpu.memory_space<vmem>> -> memref<1x80xi32, #tpu.memory_space<vmem>>
        %dma_wait3A_71 = tpu.memref_squeeze %dma_wait3A_70 : memref<1x80xi32, #tpu.memory_space<vmem>> -> memref<80xi32, #tpu.memory_space<vmem>>
        %dma_wait3A_72 = arith.constant 0 : i32
        %dma_wait3A_73 = arith.constant 0 : i32
        %dma_wait3A_74 = tpu.memref_slice %arg11[%dma_wait3A_72, %dma_wait3A_73] : memref<10240x64xf32, #tpu.memory_space<vmem_shared>> -> memref<10240x64xf32, #tpu.memory_space<vmem_shared>>
        tpu.wait_indirect_dma semaphore(%run_scoped3A_62 : memref<!tpu.dma_semaphore, #tpu.memory_space<semaphore_mem>>) src(%arg9 : memref<80x64xf32, #tpu.memory_space<vmem>>) dst(%dma_wait3A_74 : memref<10240x64xf32, #tpu.memory_space<vmem_shared>>)
        tpu.yield
      }) : () -> ()
    } else {
    }
    %eq3A_16 = arith.constant 1 : i32
    %eq3A_17 = arith.cmpi eq, %arg0, %eq3A_16 : i32
    %convert_element_type3A_18 = arith.extui %eq3A_17 : i1 to i32
    %cond3A_19 = arith.constant 0 : i32
    %cond3A_20 = arith.cmpi ne, %convert_element_type3A_18, %cond3A_19 : i32
    scf.if %cond3A_20 {
      %dma_start3A = arith.constant 0 : i32
      %dma_start3A_27 = arith.constant 0 : i32
      %dma_start3A_28 = tpu.memref_slice %arg6[%dma_start3A, %dma_start3A_27] : memref<250x80xi32, #tpu.memory_space<vmem>> -> memref<1x80xi32, #tpu.memory_space<vmem>>
      %dma_start3A_29 = tpu.memref_squeeze %dma_start3A_28 : memref<1x80xi32, #tpu.memory_space<vmem>> -> memref<80xi32, #tpu.memory_space<vmem>>
      %dma_start3A_30 = arith.constant 0 : i32
      %dma_start3A_31 = arith.constant 0 : i32
      %dma_start3A_32 = tpu.memref_slice %arg3[%dma_start3A_30, %dma_start3A_31] : memref<10240x64xf32, #tpu.memory_space<hbm>> -> memref<10240x64xf32, #tpu.memory_space<hbm>>
      tpu.enqueue_indirect_dma source(%dma_start3A_32 : memref<10240x64xf32, #tpu.memory_space<hbm>>) target(%arg8 : memref<80x64xf32, #tpu.memory_space<vmem>>) offsets(%dma_start3A_29 : memref<80xi32, #tpu.memory_space<vmem>>) semaphore(%arg12 : memref<!tpu.dma_semaphore, #tpu.memory_space<semaphore_mem>>)
      %dma_start3A_33 = arith.constant 1 : i32
      %dma_start3A_34 = arith.constant 0 : i32
      %dma_start3A_35 = tpu.memref_slice %arg6[%dma_start3A_33, %dma_start3A_34] : memref<250x80xi32, #tpu.memory_space<vmem>> -> memref<1x80xi32, #tpu.memory_space<vmem>>
      %dma_start3A_36 = tpu.memref_squeeze %dma_start3A_35 : memref<1x80xi32, #tpu.memory_space<vmem>> -> memref<80xi32, #tpu.memory_space<vmem>>
      %dma_start3A_37 = arith.constant 0 : i32
      %dma_start3A_38 = arith.constant 0 : i32
      %dma_start3A_39 = tpu.memref_slice %arg3[%dma_start3A_37, %dma_start3A_38] : memref<10240x64xf32, #tpu.memory_space<hbm>> -> memref<10240x64xf32, #tpu.memory_space<hbm>>
      tpu.enqueue_indirect_dma source(%dma_start3A_39 : memref<10240x64xf32, #tpu.memory_space<hbm>>) target(%arg9 : memref<80x64xf32, #tpu.memory_space<vmem>>) offsets(%dma_start3A_36 : memref<80xi32, #tpu.memory_space<vmem>>) semaphore(%arg13 : memref<!tpu.dma_semaphore, #tpu.memory_space<semaphore_mem>>)
      %scan3A_40 = arith.constant 0 : i32
      %scan3A_41 = arith.constant 0 : i32
      %scan3A_42 = arith.constant 124 : i32
      %scan3A_43 = arith.addi %scan3A_41, %scan3A_42 : i32
      %scan3A_44 = arith.constant 1 : i32
      %scan3A_45 = scf.for %scan3A_62 = %scan3A_41 to %scan3A_43 step %scan3A_44 iter_args(%scan3A_63 = %scan3A_40) -> (i32)  : i32 {
        %mul3A_64 = arith.constant 2 : i32
        %mul3A_65 = arith.muli %mul3A_64, %scan3A_62 : i32
        %dma_wait3A_66 = arith.constant 0 : i32
        %dma_wait3A_67 = tpu.memref_slice %arg6[%mul3A_65, %dma_wait3A_66] : memref<250x80xi32, #tpu.memory_space<vmem>> -> memref<1x80xi32, #tpu.memory_space<vmem>>
        %dma_wait3A_68 = tpu.memref_squeeze %dma_wait3A_67 : memref<1x80xi32, #tpu.memory_space<vmem>> -> memref<80xi32, #tpu.memory_space<vmem>>
        %dma_wait3A_69 = arith.constant 0 : i32
        %dma_wait3A_70 = arith.constant 0 : i32
        %dma_wait3A_71 = tpu.memref_slice %arg3[%dma_wait3A_69, %dma_wait3A_70] : memref<10240x64xf32, #tpu.memory_space<hbm>> -> memref<10240x64xf32, #tpu.memory_space<hbm>>
        tpu.wait_indirect_dma semaphore(%arg12 : memref<!tpu.dma_semaphore, #tpu.memory_space<semaphore_mem>>) src(%dma_wait3A_71 : memref<10240x64xf32, #tpu.memory_space<hbm>>) dst(%arg8 : memref<80x64xf32, #tpu.memory_space<vmem>>)
        "tpu.region"() ({
          %run_scoped3A_103 = tpu.sem_alloc : memref<!tpu.dma_semaphore, #tpu.memory_space<semaphore_mem>>
          %dma_start3A_104 = arith.constant 0 : i32
          %dma_start3A_105 = tpu.memref_slice %arg7[%mul3A_65, %dma_start3A_104] : memref<250x80xi32, #tpu.memory_space<vmem>> -> memref<1x80xi32, #tpu.memory_space<vmem>>
          %dma_start3A_106 = tpu.memref_squeeze %dma_start3A_105 : memref<1x80xi32, #tpu.memory_space<vmem>> -> memref<80xi32, #tpu.memory_space<vmem>>
          %dma_start3A_107 = arith.constant 0 : i32
          %dma_start3A_108 = arith.constant 0 : i32
          %dma_start3A_109 = tpu.memref_slice %arg11[%dma_start3A_107, %dma_start3A_108] : memref<10240x64xf32, #tpu.memory_space<vmem_shared>> -> memref<10240x64xf32, #tpu.memory_space<vmem_shared>>
          tpu.enqueue_indirect_dma source(%arg8 : memref<80x64xf32, #tpu.memory_space<vmem>>) target(%dma_start3A_109 : memref<10240x64xf32, #tpu.memory_space<vmem_shared>>) offsets(%dma_start3A_106 : memref<80xi32, #tpu.memory_space<vmem>>) semaphore(%run_scoped3A_103 : memref<!tpu.dma_semaphore, #tpu.memory_space<semaphore_mem>>) {add = true}
          %dma_wait3A_110 = arith.constant 0 : i32
          %dma_wait3A_111 = tpu.memref_slice %arg7[%mul3A_65, %dma_wait3A_110] : memref<250x80xi32, #tpu.memory_space<vmem>> -> memref<1x80xi32, #tpu.memory_space<vmem>>
          %dma_wait3A_112 = tpu.memref_squeeze %dma_wait3A_111 : memref<1x80xi32, #tpu.memory_space<vmem>> -> memref<80xi32, #tpu.memory_space<vmem>>
          %dma_wait3A_113 = arith.constant 0 : i32
          %dma_wait3A_114 = arith.constant 0 : i32
          %dma_wait3A_115 = tpu.memref_slice %arg11[%dma_wait3A_113, %dma_wait3A_114] : memref<10240x64xf32, #tpu.memory_space<vmem_shared>> -> memref<10240x64xf32, #tpu.memory_space<vmem_shared>>
          tpu.wait_indirect_dma semaphore(%run_scoped3A_103 : memref<!tpu.dma_semaphore, #tpu.memory_space<semaphore_mem>>) src(%arg8 : memref<80x64xf32, #tpu.memory_space<vmem>>) dst(%dma_wait3A_115 : memref<10240x64xf32, #tpu.memory_space<vmem_shared>>)
          tpu.yield
        }) : () -> ()
        %mul3A_72 = arith.constant 2 : i32
        %mul3A_73 = arith.muli %mul3A_72, %scan3A_62 : i32
        %add3A_74 = arith.constant 2 : i32
        %add3A_75 = arith.addi %mul3A_73, %add3A_74 : i32
        %dma_start3A_76 = arith.constant 0 : i32
        %dma_start3A_77 = tpu.memref_slice %arg6[%add3A_75, %dma_start3A_76] : memref<250x80xi32, #tpu.memory_space<vmem>> -> memref<1x80xi32, #tpu.memory_space<vmem>>
        %dma_start3A_78 = tpu.memref_squeeze %dma_start3A_77 : memref<1x80xi32, #tpu.memory_space<vmem>> -> memref<80xi32, #tpu.memory_space<vmem>>
        %dma_start3A_79 = arith.constant 0 : i32
        %dma_start3A_80 = arith.constant 0 : i32
        %dma_start3A_81 = tpu.memref_slice %arg3[%dma_start3A_79, %dma_start3A_80] : memref<10240x64xf32, #tpu.memory_space<hbm>> -> memref<10240x64xf32, #tpu.memory_space<hbm>>
        tpu.enqueue_indirect_dma source(%dma_start3A_81 : memref<10240x64xf32, #tpu.memory_space<hbm>>) target(%arg8 : memref<80x64xf32, #tpu.memory_space<vmem>>) offsets(%dma_start3A_78 : memref<80xi32, #tpu.memory_space<vmem>>) semaphore(%arg12 : memref<!tpu.dma_semaphore, #tpu.memory_space<semaphore_mem>>)
        %mul3A_82 = arith.constant 2 : i32
        %mul3A_83 = arith.muli %mul3A_82, %scan3A_62 : i32
        %add3A_84 = arith.constant 1 : i32
        %add3A_85 = arith.addi %mul3A_83, %add3A_84 : i32
        %dma_wait3A_86 = arith.constant 0 : i32
        %dma_wait3A_87 = tpu.memref_slice %arg6[%add3A_85, %dma_wait3A_86] : memref<250x80xi32, #tpu.memory_space<vmem>> -> memref<1x80xi32, #tpu.memory_space<vmem>>
        %dma_wait3A_88 = tpu.memref_squeeze %dma_wait3A_87 : memref<1x80xi32, #tpu.memory_space<vmem>> -> memref<80xi32, #tpu.memory_space<vmem>>
        %dma_wait3A_89 = arith.constant 0 : i32
        %dma_wait3A_90 = arith.constant 0 : i32
        %dma_wait3A_91 = tpu.memref_slice %arg3[%dma_wait3A_89, %dma_wait3A_90] : memref<10240x64xf32, #tpu.memory_space<hbm>> -> memref<10240x64xf32, #tpu.memory_space<hbm>>
        tpu.wait_indirect_dma semaphore(%arg13 : memref<!tpu.dma_semaphore, #tpu.memory_space<semaphore_mem>>) src(%dma_wait3A_91 : memref<10240x64xf32, #tpu.memory_space<hbm>>) dst(%arg9 : memref<80x64xf32, #tpu.memory_space<vmem>>)
        "tpu.region"() ({
          %run_scoped3A_103 = tpu.sem_alloc : memref<!tpu.dma_semaphore, #tpu.memory_space<semaphore_mem>>
          %dma_start3A_104 = arith.constant 0 : i32
          %dma_start3A_105 = tpu.memref_slice %arg7[%add3A_85, %dma_start3A_104] : memref<250x80xi32, #tpu.memory_space<vmem>> -> memref<1x80xi32, #tpu.memory_space<vmem>>
          %dma_start3A_106 = tpu.memref_squeeze %dma_start3A_105 : memref<1x80xi32, #tpu.memory_space<vmem>> -> memref<80xi32, #tpu.memory_space<vmem>>
          %dma_start3A_107 = arith.constant 0 : i32
          %dma_start3A_108 = arith.constant 0 : i32
          %dma_start3A_109 = tpu.memref_slice %arg11[%dma_start3A_107, %dma_start3A_108] : memref<10240x64xf32, #tpu.memory_space<vmem_shared>> -> memref<10240x64xf32, #tpu.memory_space<vmem_shared>>
          tpu.enqueue_indirect_dma source(%arg9 : memref<80x64xf32, #tpu.memory_space<vmem>>) target(%dma_start3A_109 : memref<10240x64xf32, #tpu.memory_space<vmem_shared>>) offsets(%dma_start3A_106 : memref<80xi32, #tpu.memory_space<vmem>>) semaphore(%run_scoped3A_103 : memref<!tpu.dma_semaphore, #tpu.memory_space<semaphore_mem>>) {add = true}
          %dma_wait3A_110 = arith.constant 0 : i32
          %dma_wait3A_111 = tpu.memref_slice %arg7[%add3A_85, %dma_wait3A_110] : memref<250x80xi32, #tpu.memory_space<vmem>> -> memref<1x80xi32, #tpu.memory_space<vmem>>
          %dma_wait3A_112 = tpu.memref_squeeze %dma_wait3A_111 : memref<1x80xi32, #tpu.memory_space<vmem>> -> memref<80xi32, #tpu.memory_space<vmem>>
          %dma_wait3A_113 = arith.constant 0 : i32
          %dma_wait3A_114 = arith.constant 0 : i32
          %dma_wait3A_115 = tpu.memref_slice %arg11[%dma_wait3A_113, %dma_wait3A_114] : memref<10240x64xf32, #tpu.memory_space<vmem_shared>> -> memref<10240x64xf32, #tpu.memory_space<vmem_shared>>
          tpu.wait_indirect_dma semaphore(%run_scoped3A_103 : memref<!tpu.dma_semaphore, #tpu.memory_space<semaphore_mem>>) src(%arg9 : memref<80x64xf32, #tpu.memory_space<vmem>>) dst(%dma_wait3A_115 : memref<10240x64xf32, #tpu.memory_space<vmem_shared>>)
          tpu.yield
        }) : () -> ()
        %mul3A_92 = arith.constant 2 : i32
        %mul3A_93 = arith.muli %mul3A_92, %scan3A_62 : i32
        %add3A_94 = arith.constant 3 : i32
        %add3A_95 = arith.addi %mul3A_93, %add3A_94 : i32
        %dma_start3A_96 = arith.constant 0 : i32
        %dma_start3A_97 = tpu.memref_slice %arg6[%add3A_95, %dma_start3A_96] : memref<250x80xi32, #tpu.memory_space<vmem>> -> memref<1x80xi32, #tpu.memory_space<vmem>>
        %dma_start3A_98 = tpu.memref_squeeze %dma_start3A_97 : memref<1x80xi32, #tpu.memory_space<vmem>> -> memref<80xi32, #tpu.memory_space<vmem>>
        %dma_start3A_99 = arith.constant 0 : i32
        %dma_start3A_100 = arith.constant 0 : i32
        %dma_start3A_101 = tpu.memref_slice %arg3[%dma_start3A_99, %dma_start3A_100] : memref<10240x64xf32, #tpu.memory_space<hbm>> -> memref<10240x64xf32, #tpu.memory_space<hbm>>
        tpu.enqueue_indirect_dma source(%dma_start3A_101 : memref<10240x64xf32, #tpu.memory_space<hbm>>) target(%arg9 : memref<80x64xf32, #tpu.memory_space<vmem>>) offsets(%dma_start3A_98 : memref<80xi32, #tpu.memory_space<vmem>>) semaphore(%arg13 : memref<!tpu.dma_semaphore, #tpu.memory_space<semaphore_mem>>)
        %scan3A_102 = arith.constant 0 : i32
        scf.yield %scan3A_102 : i32
      }
      %scan3A_46 = arith.constant 124 : i32
      %dma_wait3A = arith.constant 248 : i32
      %dma_wait3A_47 = arith.constant 0 : i32
      %dma_wait3A_48 = tpu.memref_slice %arg6[%dma_wait3A, %dma_wait3A_47] : memref<250x80xi32, #tpu.memory_space<vmem>> -> memref<1x80xi32, #tpu.memory_space<vmem>>
      %dma_wait3A_49 = tpu.memref_squeeze %dma_wait3A_48 : memref<1x80xi32, #tpu.memory_space<vmem>> -> memref<80xi32, #tpu.memory_space<vmem>>
      %dma_wait3A_50 = arith.constant 0 : i32
      %dma_wait3A_51 = arith.constant 0 : i32
      %dma_wait3A_52 = tpu.memref_slice %arg3[%dma_wait3A_50, %dma_wait3A_51] : memref<10240x64xf32, #tpu.memory_space<hbm>> -> memref<10240x64xf32, #tpu.memory_space<hbm>>
      tpu.wait_indirect_dma semaphore(%arg12 : memref<!tpu.dma_semaphore, #tpu.memory_space<semaphore_mem>>) src(%dma_wait3A_52 : memref<10240x64xf32, #tpu.memory_space<hbm>>) dst(%arg8 : memref<80x64xf32, #tpu.memory_space<vmem>>)
      %run_scoped3A_53 = arith.constant 248 : i32
      "tpu.region"() ({
        %run_scoped3A_62 = tpu.sem_alloc : memref<!tpu.dma_semaphore, #tpu.memory_space<semaphore_mem>>
        %dma_start3A_63 = arith.constant 0 : i32
        %dma_start3A_64 = tpu.memref_slice %arg7[%run_scoped3A_53, %dma_start3A_63] : memref<250x80xi32, #tpu.memory_space<vmem>> -> memref<1x80xi32, #tpu.memory_space<vmem>>
        %dma_start3A_65 = tpu.memref_squeeze %dma_start3A_64 : memref<1x80xi32, #tpu.memory_space<vmem>> -> memref<80xi32, #tpu.memory_space<vmem>>
        %dma_start3A_66 = arith.constant 0 : i32
        %dma_start3A_67 = arith.constant 0 : i32
        %dma_start3A_68 = tpu.memref_slice %arg11[%dma_start3A_66, %dma_start3A_67] : memref<10240x64xf32, #tpu.memory_space<vmem_shared>> -> memref<10240x64xf32, #tpu.memory_space<vmem_shared>>
        tpu.enqueue_indirect_dma source(%arg8 : memref<80x64xf32, #tpu.memory_space<vmem>>) target(%dma_start3A_68 : memref<10240x64xf32, #tpu.memory_space<vmem_shared>>) offsets(%dma_start3A_65 : memref<80xi32, #tpu.memory_space<vmem>>) semaphore(%run_scoped3A_62 : memref<!tpu.dma_semaphore, #tpu.memory_space<semaphore_mem>>) {add = true}
        %dma_wait3A_69 = arith.constant 0 : i32
        %dma_wait3A_70 = tpu.memref_slice %arg7[%run_scoped3A_53, %dma_wait3A_69] : memref<250x80xi32, #tpu.memory_space<vmem>> -> memref<1x80xi32, #tpu.memory_space<vmem>>
        %dma_wait3A_71 = tpu.memref_squeeze %dma_wait3A_70 : memref<1x80xi32, #tpu.memory_space<vmem>> -> memref<80xi32, #tpu.memory_space<vmem>>
        %dma_wait3A_72 = arith.constant 0 : i32
        %dma_wait3A_73 = arith.constant 0 : i32
        %dma_wait3A_74 = tpu.memref_slice %arg11[%dma_wait3A_72, %dma_wait3A_73] : memref<10240x64xf32, #tpu.memory_space<vmem_shared>> -> memref<10240x64xf32, #tpu.memory_space<vmem_shared>>
        tpu.wait_indirect_dma semaphore(%run_scoped3A_62 : memref<!tpu.dma_semaphore, #tpu.memory_space<semaphore_mem>>) src(%arg8 : memref<80x64xf32, #tpu.memory_space<vmem>>) dst(%dma_wait3A_74 : memref<10240x64xf32, #tpu.memory_space<vmem_shared>>)
        tpu.yield
      }) : () -> ()
      %dma_wait3A_54 = arith.constant 249 : i32
      %dma_wait3A_55 = arith.constant 0 : i32
      %dma_wait3A_56 = tpu.memref_slice %arg6[%dma_wait3A_54, %dma_wait3A_55] : memref<250x80xi32, #tpu.memory_space<vmem>> -> memref<1x80xi32, #tpu.memory_space<vmem>>
      %dma_wait3A_57 = tpu.memref_squeeze %dma_wait3A_56 : memref<1x80xi32, #tpu.memory_space<vmem>> -> memref<80xi32, #tpu.memory_space<vmem>>
      %dma_wait3A_58 = arith.constant 0 : i32
      %dma_wait3A_59 = arith.constant 0 : i32
      %dma_wait3A_60 = tpu.memref_slice %arg3[%dma_wait3A_58, %dma_wait3A_59] : memref<10240x64xf32, #tpu.memory_space<hbm>> -> memref<10240x64xf32, #tpu.memory_space<hbm>>
      tpu.wait_indirect_dma semaphore(%arg13 : memref<!tpu.dma_semaphore, #tpu.memory_space<semaphore_mem>>) src(%dma_wait3A_60 : memref<10240x64xf32, #tpu.memory_space<hbm>>) dst(%arg9 : memref<80x64xf32, #tpu.memory_space<vmem>>)
      %run_scoped3A_61 = arith.constant 249 : i32
      "tpu.region"() ({
        %run_scoped3A_62 = tpu.sem_alloc : memref<!tpu.dma_semaphore, #tpu.memory_space<semaphore_mem>>
        %dma_start3A_63 = arith.constant 0 : i32
        %dma_start3A_64 = tpu.memref_slice %arg7[%run_scoped3A_61, %dma_start3A_63] : memref<250x80xi32, #tpu.memory_space<vmem>> -> memref<1x80xi32, #tpu.memory_space<vmem>>
        %dma_start3A_65 = tpu.memref_squeeze %dma_start3A_64 : memref<1x80xi32, #tpu.memory_space<vmem>> -> memref<80xi32, #tpu.memory_space<vmem>>
        %dma_start3A_66 = arith.constant 0 : i32
        %dma_start3A_67 = arith.constant 0 : i32
        %dma_start3A_68 = tpu.memref_slice %arg11[%dma_start3A_66, %dma_start3A_67] : memref<10240x64xf32, #tpu.memory_space<vmem_shared>> -> memref<10240x64xf32, #tpu.memory_space<vmem_shared>>
        tpu.enqueue_indirect_dma source(%arg9 : memref<80x64xf32, #tpu.memory_space<vmem>>) target(%dma_start3A_68 : memref<10240x64xf32, #tpu.memory_space<vmem_shared>>) offsets(%dma_start3A_65 : memref<80xi32, #tpu.memory_space<vmem>>) semaphore(%run_scoped3A_62 : memref<!tpu.dma_semaphore, #tpu.memory_space<semaphore_mem>>) {add = true}
        %dma_wait3A_69 = arith.constant 0 : i32
        %dma_wait3A_70 = tpu.memref_slice %arg7[%run_scoped3A_61, %dma_wait3A_69] : memref<250x80xi32, #tpu.memory_space<vmem>> -> memref<1x80xi32, #tpu.memory_space<vmem>>
        %dma_wait3A_71 = tpu.memref_squeeze %dma_wait3A_70 : memref<1x80xi32, #tpu.memory_space<vmem>> -> memref<80xi32, #tpu.memory_space<vmem>>
        %dma_wait3A_72 = arith.constant 0 : i32
        %dma_wait3A_73 = arith.constant 0 : i32
        %dma_wait3A_74 = tpu.memref_slice %arg11[%dma_wait3A_72, %dma_wait3A_73] : memref<10240x64xf32, #tpu.memory_space<vmem_shared>> -> memref<10240x64xf32, #tpu.memory_space<vmem_shared>>
        tpu.wait_indirect_dma semaphore(%run_scoped3A_62 : memref<!tpu.dma_semaphore, #tpu.memory_space<semaphore_mem>>) src(%arg9 : memref<80x64xf32, #tpu.memory_space<vmem>>) dst(%dma_wait3A_74 : memref<10240x64xf32, #tpu.memory_space<vmem_shared>>)
        tpu.yield
      }) : () -> ()
    } else {
    }
    %barrier3A_21 = arith.constant 0 : index
    tpu.barrier barrier_id(%barrier3A_21)
    %mul3A = arith.constant 640 : i32
    %mul3A_22 = arith.muli %arg1, %mul3A : i32
    %mul3A_23 = arith.constant 10240 : i32
    %mul3A_24 = arith.muli %arg0, %mul3A_23 : i32
    %mul3A_25 = arith.constant 640 : i32
    %mul3A_26 = arith.muli %arg1, %mul3A_25 : i32
    %add3A = arith.addi %mul3A_24, %mul3A_26 : i32
    "tpu.region"() ({
      %run_scoped3A_27 = tpu.sem_alloc : memref<!tpu.dma_semaphore, #tpu.memory_space<semaphore_mem>>
      %dma_start3A = arith.constant 0 : i32
      %dma_start3A_28 = tpu.memref_slice %arg5[%add3A, %dma_start3A] : memref<20480x64xf32, #tpu.memory_space<hbm>> -> memref<640x64xf32, #tpu.memory_space<hbm>>
      %dma_start3A_29 = arith.constant 0 : i32
      %dma_start3A_30 = tpu.memref_slice %arg11[%mul3A_22, %dma_start3A_29] : memref<10240x64xf32, #tpu.memory_space<vmem_shared>> -> memref<640x64xf32, #tpu.memory_space<vmem_shared>>
      tpu.enqueue_dma source(%dma_start3A_30 : memref<640x64xf32, #tpu.memory_space<vmem_shared>>) target(%dma_start3A_28 : memref<640x64xf32, #tpu.memory_space<hbm>>) target_semaphore(%run_scoped3A_27 : memref<!tpu.dma_semaphore, #tpu.memory_space<semaphore_mem>>)
      %dma_wait3A = arith.constant 0 : i32
      %dma_wait3A_31 = tpu.memref_slice %arg5[%add3A, %dma_wait3A] : memref<20480x64xf32, #tpu.memory_space<hbm>> -> memref<640x64xf32, #tpu.memory_space<hbm>>
      %dma_wait3A_32 = arith.constant 0 : i32
      %dma_wait3A_33 = tpu.memref_slice %arg11[%mul3A_22, %dma_wait3A_32] : memref<10240x64xf32, #tpu.memory_space<vmem_shared>> -> memref<640x64xf32, #tpu.memory_space<vmem_shared>>
      tpu.wait_dma2 semaphore(%run_scoped3A_27 : memref<!tpu.dma_semaphore, #tpu.memory_space<semaphore_mem>>) src(%dma_wait3A_33 : memref<640x64xf32, #tpu.memory_space<vmem_shared>>) dst(%dma_wait3A_31 : memref<640x64xf32, #tpu.memory_space<hbm>>)
      tpu.yield
    }) : () -> ()
    return
  }
}

#map = affine_map<(d0, d1) -> (0, 0, 0, 0)>
#map1 = affine_map<(d0, d1) -> (0, 0)>
module attributes {stable_mosaic.version = 14 : i64} {
  func.func @deg(%arg0: i32, %arg1: i32, %arg2: memref<2x16x250x80xi32, #tpu.memory_space<hbm>>, %arg3: memref<20480x16xf32, #tpu.memory_space<hbm>>, %arg4: memref<250x80xi32, #tpu.memory_space<vmem>>, %arg5: memref<80x16xf32, #tpu.memory_space<vmem>>, %arg6: memref<128x16xf32, #tpu.memory_space<vmem>>, %arg7: memref<10240x16xf32, #tpu.memory_space<vmem_shared>>) attributes {dimension_semantics = [#tpu.dimension_semantics<core_parallel>, #tpu.dimension_semantics<subcore_parallel>], iteration_bounds = array<i64: 2, 16>, scalar_prefetch = 0 : i64, scratch_operands = 4 : i64, tpu.core_type = #tpu.core_type<sc_vector_subcore>, window_params = [{transform_indices = #map}, {transform_indices = #map1}]} {
    %run_scoped3A = arith.constant 1 : i32
    "tpu.region"() ({
      %run_scoped3A_35 = tpu.sem_alloc : memref<!tpu.dma_semaphore, #tpu.memory_space<semaphore_mem>>
      %dma_start3A = arith.constant 0 : i32
      %dma_start3A_36 = arith.constant 0 : i32
      %dma_start3A_37 = tpu.memref_slice %arg2[%run_scoped3A, %arg1, %dma_start3A, %dma_start3A_36] : memref<2x16x250x80xi32, #tpu.memory_space<hbm>> -> memref<1x1x250x80xi32, #tpu.memory_space<hbm>>
      %dma_start3A_38 = tpu.memref_squeeze %dma_start3A_37 : memref<1x1x250x80xi32, #tpu.memory_space<hbm>> -> memref<250x80xi32, #tpu.memory_space<hbm>>
      %dma_start3A_39 = arith.constant 0 : i32
      %dma_start3A_40 = arith.constant 0 : i32
      %dma_start3A_41 = tpu.memref_slice %arg2[%run_scoped3A, %arg1, %dma_start3A_39, %dma_start3A_40] : memref<2x16x250x80xi32, #tpu.memory_space<hbm>> -> memref<1x1x250x80xi32, #tpu.memory_space<hbm>>
      %dma_start3A_42 = tpu.memref_squeeze %dma_start3A_41 : memref<1x1x250x80xi32, #tpu.memory_space<hbm>> -> memref<250x80xi32, #tpu.memory_space<hbm>>
      tpu.enqueue_dma source(%dma_start3A_42 : memref<250x80xi32, #tpu.memory_space<hbm>>) target(%arg4 : memref<250x80xi32, #tpu.memory_space<vmem>>) target_semaphore(%run_scoped3A_35 : memref<!tpu.dma_semaphore, #tpu.memory_space<semaphore_mem>>)
      %dma_wait3A = arith.constant 0 : i32
      %dma_wait3A_43 = arith.constant 0 : i32
      %dma_wait3A_44 = tpu.memref_slice %arg2[%run_scoped3A, %arg1, %dma_wait3A, %dma_wait3A_43] : memref<2x16x250x80xi32, #tpu.memory_space<hbm>> -> memref<1x1x250x80xi32, #tpu.memory_space<hbm>>
      %dma_wait3A_45 = tpu.memref_squeeze %dma_wait3A_44 : memref<1x1x250x80xi32, #tpu.memory_space<hbm>> -> memref<250x80xi32, #tpu.memory_space<hbm>>
      %dma_wait3A_46 = arith.constant 0 : i32
      %dma_wait3A_47 = arith.constant 0 : i32
      %dma_wait3A_48 = tpu.memref_slice %arg2[%run_scoped3A, %arg1, %dma_wait3A_46, %dma_wait3A_47] : memref<2x16x250x80xi32, #tpu.memory_space<hbm>> -> memref<1x1x250x80xi32, #tpu.memory_space<hbm>>
      %dma_wait3A_49 = tpu.memref_squeeze %dma_wait3A_48 : memref<1x1x250x80xi32, #tpu.memory_space<hbm>> -> memref<250x80xi32, #tpu.memory_space<hbm>>
      tpu.wait_dma2 semaphore(%run_scoped3A_35 : memref<!tpu.dma_semaphore, #tpu.memory_space<semaphore_mem>>) src(%dma_wait3A_49 : memref<250x80xi32, #tpu.memory_space<hbm>>) dst(%arg4 : memref<250x80xi32, #tpu.memory_space<vmem>>)
      tpu.yield
    }) : () -> ()
    %scan3A = arith.constant 0 : i32
    %scan3A_0 = arith.constant 0 : i32
    %scan3A_1 = arith.constant 80 : i32
    %scan3A_2 = arith.addi %scan3A_0, %scan3A_1 : i32
    %scan3A_3 = arith.constant 1 : i32
    %scan3A_4 = scf.for %scan3A_35 = %scan3A_0 to %scan3A_2 step %scan3A_3 iter_args(%scan3A_36 = %scan3A) -> (i32)  : i32 {
      %broadcast_in_dim3A = arith.constant 1.000000e+00 : f32
      %broadcast_in_dim3A_37 = vector.broadcast %broadcast_in_dim3A : f32 to vector<16xf32>
      %swap3A = arith.index_cast %scan3A_35 : i32 to index
      %swap3A_38 = arith.constant 0 : index
      %swap3A_39 = tpu.vector_load %arg5[%swap3A, %swap3A_38] {strides = array<i32>} : memref<80x16xf32, #tpu.memory_space<vmem>>, vector<1x16xf32>,
      %swap3A_40 = vector.shape_cast %swap3A_39 : vector<1x16xf32> to vector<16xf32>
      %swap3A_41 = vector.shape_cast %broadcast_in_dim3A_37 : vector<16xf32> to vector<1x16xf32>
      tpu.vector_store %arg5[%swap3A, %swap3A_38], %swap3A_41 {strides = array<i32>} : memref<80x16xf32, #tpu.memory_space<vmem>>, vector<1x16xf32>,
      %scan3A_42 = arith.constant 0 : i32
      scf.yield %scan3A_42 : i32
    }
    %scan3A_5 = arith.constant 80 : i32
    %scan3A_6 = arith.constant 0 : i32
    %scan3A_7 = arith.constant 0 : i32
    %scan3A_8 = arith.constant 128 : i32
    %scan3A_9 = arith.addi %scan3A_7, %scan3A_8 : i32
    %scan3A_10 = arith.constant 1 : i32
    %scan3A_11 = scf.for %scan3A_35 = %scan3A_7 to %scan3A_9 step %scan3A_10 iter_args(%scan3A_36 = %scan3A_6) -> (i32)  : i32 {
      %broadcast_in_dim3A = arith.constant 0.000000e+00 : f32
      %broadcast_in_dim3A_37 = vector.broadcast %broadcast_in_dim3A : f32 to vector<16xf32>
      %swap3A = arith.index_cast %scan3A_35 : i32 to index
      %swap3A_38 = arith.constant 0 : index
      %swap3A_39 = tpu.vector_load %arg6[%swap3A, %swap3A_38] {strides = array<i32>} : memref<128x16xf32, #tpu.memory_space<vmem>>, vector<1x16xf32>,
      %swap3A_40 = vector.shape_cast %swap3A_39 : vector<1x16xf32> to vector<16xf32>
      %swap3A_41 = vector.shape_cast %broadcast_in_dim3A_37 : vector<16xf32> to vector<1x16xf32>
      tpu.vector_store %arg6[%swap3A, %swap3A_38], %swap3A_41 {strides = array<i32>} : memref<128x16xf32, #tpu.memory_space<vmem>>, vector<1x16xf32>,
      %scan3A_42 = arith.constant 0 : i32
      scf.yield %scan3A_42 : i32
    }
    %scan3A_12 = arith.constant 128 : i32
    %scan3A_13 = arith.constant 0 : i32
    %scan3A_14 = arith.constant 0 : i32
    %scan3A_15 = arith.constant 5 : i32
    %scan3A_16 = arith.addi %scan3A_14, %scan3A_15 : i32
    %scan3A_17 = arith.constant 1 : i32
    %scan3A_18 = scf.for %scan3A_35 = %scan3A_14 to %scan3A_16 step %scan3A_17 iter_args(%scan3A_36 = %scan3A_13) -> (i32)  : i32 {
      %mul3A_37 = arith.constant 640 : i32
      %mul3A_38 = arith.muli %arg1, %mul3A_37 : i32
      %mul3A_39 = arith.constant 128 : i32
      %mul3A_40 = arith.muli %scan3A_35, %mul3A_39 : i32
      %add3A_41 = arith.addi %mul3A_38, %mul3A_40 : i32
      "tpu.region"() ({
        %run_scoped3A_43 = tpu.sem_alloc : memref<!tpu.dma_semaphore, #tpu.memory_space<semaphore_mem>>
        %dma_start3A = arith.constant 0 : i32
        %dma_start3A_44 = tpu.memref_slice %arg7[%add3A_41, %dma_start3A] : memref<10240x16xf32, #tpu.memory_space<vmem_shared>> -> memref<128x16xf32, #tpu.memory_space<vmem_shared>>
        %dma_start3A_45 = arith.constant 0 : i32
        %dma_start3A_46 = tpu.memref_slice %arg7[%add3A_41, %dma_start3A_45] : memref<10240x16xf32, #tpu.memory_space<vmem_shared>> -> memref<128x16xf32, #tpu.memory_space<vmem_shared>>
        tpu.enqueue_dma source(%arg6 : memref<128x16xf32, #tpu.memory_space<vmem>>) target(%dma_start3A_46 : memref<128x16xf32, #tpu.memory_space<vmem_shared>>) target_semaphore(%run_scoped3A_43 : memref<!tpu.dma_semaphore, #tpu.memory_space<semaphore_mem>>)
        %dma_wait3A = arith.constant 0 : i32
        %dma_wait3A_47 = tpu.memref_slice %arg7[%add3A_41, %dma_wait3A] : memref<10240x16xf32, #tpu.memory_space<vmem_shared>> -> memref<128x16xf32, #tpu.memory_space<vmem_shared>>
        %dma_wait3A_48 = arith.constant 0 : i32
        %dma_wait3A_49 = tpu.memref_slice %arg7[%add3A_41, %dma_wait3A_48] : memref<10240x16xf32, #tpu.memory_space<vmem_shared>> -> memref<128x16xf32, #tpu.memory_space<vmem_shared>>
        tpu.wait_dma2 semaphore(%run_scoped3A_43 : memref<!tpu.dma_semaphore, #tpu.memory_space<semaphore_mem>>) src(%arg6 : memref<128x16xf32, #tpu.memory_space<vmem>>) dst(%dma_wait3A_49 : memref<128x16xf32, #tpu.memory_space<vmem_shared>>)
        tpu.yield
      }) : () -> ()
      %scan3A_42 = arith.constant 0 : i32
      scf.yield %scan3A_42 : i32
    }
    %scan3A_19 = arith.constant 5 : i32
    %barrier3A = arith.constant 0 : index
    tpu.barrier barrier_id(%barrier3A)
    %mul3A = arith.constant 125 : i32
    %mul3A_20 = arith.muli %arg0, %mul3A : i32
    %scan3A_21 = arith.constant 0 : i32
    %scan3A_22 = arith.constant 0 : i32
    %scan3A_23 = arith.constant 125 : i32
    %scan3A_24 = arith.addi %scan3A_22, %scan3A_23 : i32
    %scan3A_25 = arith.constant 1 : i32
    %scan3A_26 = scf.for %scan3A_35 = %scan3A_22 to %scan3A_24 step %scan3A_25 iter_args(%scan3A_36 = %scan3A_21) -> (i32)  : i32 {
      %add3A_37 = arith.addi %mul3A_20, %scan3A_35 : i32
      "tpu.region"() ({
        %run_scoped3A_39 = tpu.sem_alloc : memref<!tpu.dma_semaphore, #tpu.memory_space<semaphore_mem>>
        %dma_start3A = arith.constant 0 : i32
        %dma_start3A_40 = tpu.memref_slice %arg4[%add3A_37, %dma_start3A] : memref<250x80xi32, #tpu.memory_space<vmem>> -> memref<1x80xi32, #tpu.memory_space<vmem>>
        %dma_start3A_41 = tpu.memref_squeeze %dma_start3A_40 : memref<1x80xi32, #tpu.memory_space<vmem>> -> memref<80xi32, #tpu.memory_space<vmem>>
        %dma_start3A_42 = arith.constant 0 : i32
        %dma_start3A_43 = arith.constant 0 : i32
        %dma_start3A_44 = tpu.memref_slice %arg7[%dma_start3A_42, %dma_start3A_43] : memref<10240x16xf32, #tpu.memory_space<vmem_shared>> -> memref<10240x16xf32, #tpu.memory_space<vmem_shared>>
        tpu.enqueue_indirect_dma source(%arg5 : memref<80x16xf32, #tpu.memory_space<vmem>>) target(%dma_start3A_44 : memref<10240x16xf32, #tpu.memory_space<vmem_shared>>) offsets(%dma_start3A_41 : memref<80xi32, #tpu.memory_space<vmem>>) semaphore(%run_scoped3A_39 : memref<!tpu.dma_semaphore, #tpu.memory_space<semaphore_mem>>) {add = true}
        %dma_wait3A = arith.constant 0 : i32
        %dma_wait3A_45 = tpu.memref_slice %arg4[%add3A_37, %dma_wait3A] : memref<250x80xi32, #tpu.memory_space<vmem>> -> memref<1x80xi32, #tpu.memory_space<vmem>>
        %dma_wait3A_46 = tpu.memref_squeeze %dma_wait3A_45 : memref<1x80xi32, #tpu.memory_space<vmem>> -> memref<80xi32, #tpu.memory_space<vmem>>
        %dma_wait3A_47 = arith.constant 0 : i32
        %dma_wait3A_48 = arith.constant 0 : i32
        %dma_wait3A_49 = tpu.memref_slice %arg7[%dma_wait3A_47, %dma_wait3A_48] : memref<10240x16xf32, #tpu.memory_space<vmem_shared>> -> memref<10240x16xf32, #tpu.memory_space<vmem_shared>>
        tpu.wait_indirect_dma semaphore(%run_scoped3A_39 : memref<!tpu.dma_semaphore, #tpu.memory_space<semaphore_mem>>) src(%arg5 : memref<80x16xf32, #tpu.memory_space<vmem>>) dst(%dma_wait3A_49 : memref<10240x16xf32, #tpu.memory_space<vmem_shared>>)
        tpu.yield
      }) : () -> ()
      %scan3A_38 = arith.constant 0 : i32
      scf.yield %scan3A_38 : i32
    }
    %scan3A_27 = arith.constant 125 : i32
    %barrier3A_28 = arith.constant 0 : index
    tpu.barrier barrier_id(%barrier3A_28)
    %mul3A_29 = arith.constant 640 : i32
    %mul3A_30 = arith.muli %arg1, %mul3A_29 : i32
    %mul3A_31 = arith.constant 10240 : i32
    %mul3A_32 = arith.muli %arg0, %mul3A_31 : i32
    %mul3A_33 = arith.constant 640 : i32
    %mul3A_34 = arith.muli %arg1, %mul3A_33 : i32
    %add3A = arith.addi %mul3A_32, %mul3A_34 : i32
    "tpu.region"() ({
      %run_scoped3A_35 = tpu.sem_alloc : memref<!tpu.dma_semaphore, #tpu.memory_space<semaphore_mem>>
      %dma_start3A = arith.constant 0 : i32
      %dma_start3A_36 = tpu.memref_slice %arg3[%add3A, %dma_start3A] : memref<20480x16xf32, #tpu.memory_space<hbm>> -> memref<640x16xf32, #tpu.memory_space<hbm>>
      %dma_start3A_37 = arith.constant 0 : i32
      %dma_start3A_38 = tpu.memref_slice %arg7[%mul3A_30, %dma_start3A_37] : memref<10240x16xf32, #tpu.memory_space<vmem_shared>> -> memref<640x16xf32, #tpu.memory_space<vmem_shared>>
      tpu.enqueue_dma source(%dma_start3A_38 : memref<640x16xf32, #tpu.memory_space<vmem_shared>>) target(%dma_start3A_36 : memref<640x16xf32, #tpu.memory_space<hbm>>) target_semaphore(%run_scoped3A_35 : memref<!tpu.dma_semaphore, #tpu.memory_space<semaphore_mem>>)
      %dma_wait3A = arith.constant 0 : i32
      %dma_wait3A_39 = tpu.memref_slice %arg3[%add3A, %dma_wait3A] : memref<20480x16xf32, #tpu.memory_space<hbm>> -> memref<640x16xf32, #tpu.memory_space<hbm>>
      %dma_wait3A_40 = arith.constant 0 : i32
      %dma_wait3A_41 = tpu.memref_slice %arg7[%mul3A_30, %dma_wait3A_40] : memref<10240x16xf32, #tpu.memory_space<vmem_shared>> -> memref<640x16xf32, #tpu.memory_space<vmem_shared>>
      tpu.wait_dma2 semaphore(%run_scoped3A_35 : memref<!tpu.dma_semaphore, #tpu.memory_space<semaphore_mem>>) src(%dma_wait3A_41 : memref<640x16xf32, #tpu.memory_space<vmem_shared>>) dst(%dma_wait3A_39 : memref<640x16xf32, #tpu.memory_space<hbm>>)
      tpu.yield
    }) : () -> ()
    return
  }
}

#map = affine_map<(d0, d1) -> (0, 0)>
#map1 = affine_map<(d0, d1) -> (0, 0, 0, 0)>
module attributes {stable_mosaic.version = 14 : i64} {
  func.func @agg(%arg0: i32, %arg1: i32, %arg2: memref<10240x32xf32, #tpu.memory_space<hbm>>, %arg3: memref<10240x32xf32, #tpu.memory_space<hbm>>, %arg4: memref<2x16x250x80xi32, #tpu.memory_space<hbm>>, %arg5: memref<20480x32xf32, #tpu.memory_space<hbm>>, %arg6: memref<250x80xi32, #tpu.memory_space<vmem>>, %arg7: memref<250x80xi32, #tpu.memory_space<vmem>>, %arg8: memref<80x32xf32, #tpu.memory_space<vmem>>, %arg9: memref<80x32xf32, #tpu.memory_space<vmem>>, %arg10: memref<128x32xf32, #tpu.memory_space<vmem>>, %arg11: memref<10240x32xf32, #tpu.memory_space<vmem_shared>>, %arg12: memref<!tpu.dma_semaphore, #tpu.memory_space<semaphore_mem>>, %arg13: memref<!tpu.dma_semaphore, #tpu.memory_space<semaphore_mem>>) attributes {dimension_semantics = [#tpu.dimension_semantics<core_parallel>, #tpu.dimension_semantics<subcore_parallel>], iteration_bounds = array<i64: 2, 16>, scalar_prefetch = 0 : i64, scratch_operands = 8 : i64, tpu.core_type = #tpu.core_type<sc_vector_subcore>, window_params = [{transform_indices = #map}, {transform_indices = #map}, {transform_indices = #map1}, {transform_indices = #map}]} {
    %run_scoped3A = arith.constant 0 : i32
    "tpu.region"() ({
      %run_scoped3A_27 = tpu.sem_alloc : memref<!tpu.dma_semaphore, #tpu.memory_space<semaphore_mem>>
      %dma_start3A = arith.constant 0 : i32
      %dma_start3A_28 = arith.constant 0 : i32
      %dma_start3A_29 = tpu.memref_slice %arg4[%run_scoped3A, %arg1, %dma_start3A, %dma_start3A_28] : memref<2x16x250x80xi32, #tpu.memory_space<hbm>> -> memref<1x1x250x80xi32, #tpu.memory_space<hbm>>
      %dma_start3A_30 = tpu.memref_squeeze %dma_start3A_29 : memref<1x1x250x80xi32, #tpu.memory_space<hbm>> -> memref<250x80xi32, #tpu.memory_space<hbm>>
      %dma_start3A_31 = arith.constant 0 : i32
      %dma_start3A_32 = arith.constant 0 : i32
      %dma_start3A_33 = tpu.memref_slice %arg4[%run_scoped3A, %arg1, %dma_start3A_31, %dma_start3A_32] : memref<2x16x250x80xi32, #tpu.memory_space<hbm>> -> memref<1x1x250x80xi32, #tpu.memory_space<hbm>>
      %dma_start3A_34 = tpu.memref_squeeze %dma_start3A_33 : memref<1x1x250x80xi32, #tpu.memory_space<hbm>> -> memref<250x80xi32, #tpu.memory_space<hbm>>
      tpu.enqueue_dma source(%dma_start3A_34 : memref<250x80xi32, #tpu.memory_space<hbm>>) target(%arg6 : memref<250x80xi32, #tpu.memory_space<vmem>>) target_semaphore(%run_scoped3A_27 : memref<!tpu.dma_semaphore, #tpu.memory_space<semaphore_mem>>)
      %dma_wait3A = arith.constant 0 : i32
      %dma_wait3A_35 = arith.constant 0 : i32
      %dma_wait3A_36 = tpu.memref_slice %arg4[%run_scoped3A, %arg1, %dma_wait3A, %dma_wait3A_35] : memref<2x16x250x80xi32, #tpu.memory_space<hbm>> -> memref<1x1x250x80xi32, #tpu.memory_space<hbm>>
      %dma_wait3A_37 = tpu.memref_squeeze %dma_wait3A_36 : memref<1x1x250x80xi32, #tpu.memory_space<hbm>> -> memref<250x80xi32, #tpu.memory_space<hbm>>
      %dma_wait3A_38 = arith.constant 0 : i32
      %dma_wait3A_39 = arith.constant 0 : i32
      %dma_wait3A_40 = tpu.memref_slice %arg4[%run_scoped3A, %arg1, %dma_wait3A_38, %dma_wait3A_39] : memref<2x16x250x80xi32, #tpu.memory_space<hbm>> -> memref<1x1x250x80xi32, #tpu.memory_space<hbm>>
      %dma_wait3A_41 = tpu.memref_squeeze %dma_wait3A_40 : memref<1x1x250x80xi32, #tpu.memory_space<hbm>> -> memref<250x80xi32, #tpu.memory_space<hbm>>
      tpu.wait_dma2 semaphore(%run_scoped3A_27 : memref<!tpu.dma_semaphore, #tpu.memory_space<semaphore_mem>>) src(%dma_wait3A_41 : memref<250x80xi32, #tpu.memory_space<hbm>>) dst(%arg6 : memref<250x80xi32, #tpu.memory_space<vmem>>)
      tpu.yield
    }) : () -> ()
    %run_scoped3A_0 = arith.constant 1 : i32
    "tpu.region"() ({
      %run_scoped3A_27 = tpu.sem_alloc : memref<!tpu.dma_semaphore, #tpu.memory_space<semaphore_mem>>
      %dma_start3A = arith.constant 0 : i32
      %dma_start3A_28 = arith.constant 0 : i32
      %dma_start3A_29 = tpu.memref_slice %arg4[%run_scoped3A_0, %arg1, %dma_start3A, %dma_start3A_28] : memref<2x16x250x80xi32, #tpu.memory_space<hbm>> -> memref<1x1x250x80xi32, #tpu.memory_space<hbm>>
      %dma_start3A_30 = tpu.memref_squeeze %dma_start3A_29 : memref<1x1x250x80xi32, #tpu.memory_space<hbm>> -> memref<250x80xi32, #tpu.memory_space<hbm>>
      %dma_start3A_31 = arith.constant 0 : i32
      %dma_start3A_32 = arith.constant 0 : i32
      %dma_start3A_33 = tpu.memref_slice %arg4[%run_scoped3A_0, %arg1, %dma_start3A_31, %dma_start3A_32] : memref<2x16x250x80xi32, #tpu.memory_space<hbm>> -> memref<1x1x250x80xi32, #tpu.memory_space<hbm>>
      %dma_start3A_34 = tpu.memref_squeeze %dma_start3A_33 : memref<1x1x250x80xi32, #tpu.memory_space<hbm>> -> memref<250x80xi32, #tpu.memory_space<hbm>>
      tpu.enqueue_dma source(%dma_start3A_34 : memref<250x80xi32, #tpu.memory_space<hbm>>) target(%arg7 : memref<250x80xi32, #tpu.memory_space<vmem>>) target_semaphore(%run_scoped3A_27 : memref<!tpu.dma_semaphore, #tpu.memory_space<semaphore_mem>>)
      %dma_wait3A = arith.constant 0 : i32
      %dma_wait3A_35 = arith.constant 0 : i32
      %dma_wait3A_36 = tpu.memref_slice %arg4[%run_scoped3A_0, %arg1, %dma_wait3A, %dma_wait3A_35] : memref<2x16x250x80xi32, #tpu.memory_space<hbm>> -> memref<1x1x250x80xi32, #tpu.memory_space<hbm>>
      %dma_wait3A_37 = tpu.memref_squeeze %dma_wait3A_36 : memref<1x1x250x80xi32, #tpu.memory_space<hbm>> -> memref<250x80xi32, #tpu.memory_space<hbm>>
      %dma_wait3A_38 = arith.constant 0 : i32
      %dma_wait3A_39 = arith.constant 0 : i32
      %dma_wait3A_40 = tpu.memref_slice %arg4[%run_scoped3A_0, %arg1, %dma_wait3A_38, %dma_wait3A_39] : memref<2x16x250x80xi32, #tpu.memory_space<hbm>> -> memref<1x1x250x80xi32, #tpu.memory_space<hbm>>
      %dma_wait3A_41 = tpu.memref_squeeze %dma_wait3A_40 : memref<1x1x250x80xi32, #tpu.memory_space<hbm>> -> memref<250x80xi32, #tpu.memory_space<hbm>>
      tpu.wait_dma2 semaphore(%run_scoped3A_27 : memref<!tpu.dma_semaphore, #tpu.memory_space<semaphore_mem>>) src(%dma_wait3A_41 : memref<250x80xi32, #tpu.memory_space<hbm>>) dst(%arg7 : memref<250x80xi32, #tpu.memory_space<vmem>>)
      tpu.yield
    }) : () -> ()
    %scan3A = arith.constant 0 : i32
    %scan3A_1 = arith.constant 0 : i32
    %scan3A_2 = arith.constant 128 : i32
    %scan3A_3 = arith.addi %scan3A_1, %scan3A_2 : i32
    %scan3A_4 = arith.constant 1 : i32
    %scan3A_5 = scf.for %scan3A_27 = %scan3A_1 to %scan3A_3 step %scan3A_4 iter_args(%scan3A_28 = %scan3A) -> (i32)  : i32 {
      %broadcast_in_dim3A = arith.constant 0.000000e+00 : f32
      %broadcast_in_dim3A_29 = vector.broadcast %broadcast_in_dim3A : f32 to vector<16xf32>
      %swap3A = arith.index_cast %scan3A_27 : i32 to index
      %swap3A_30 = arith.constant 0 : index
      %swap3A_31 = tpu.vector_load %arg10[%swap3A, %swap3A_30] {strides = array<i32>} : memref<128x32xf32, #tpu.memory_space<vmem>>, vector<1x16xf32>,
      %swap3A_32 = vector.shape_cast %swap3A_31 : vector<1x16xf32> to vector<16xf32>
      %swap3A_33 = vector.shape_cast %broadcast_in_dim3A_29 : vector<16xf32> to vector<1x16xf32>
      tpu.vector_store %arg10[%swap3A, %swap3A_30], %swap3A_33 {strides = array<i32>} : memref<128x32xf32, #tpu.memory_space<vmem>>, vector<1x16xf32>,
      %broadcast_in_dim3A_34 = arith.constant 0.000000e+00 : f32
      %broadcast_in_dim3A_35 = vector.broadcast %broadcast_in_dim3A_34 : f32 to vector<16xf32>
      %swap3A_36 = arith.index_cast %scan3A_27 : i32 to index
      %swap3A_37 = arith.constant 16 : index
      %swap3A_38 = tpu.vector_load %arg10[%swap3A_36, %swap3A_37] {strides = array<i32>} : memref<128x32xf32, #tpu.memory_space<vmem>>, vector<1x16xf32>,
      %swap3A_39 = vector.shape_cast %swap3A_38 : vector<1x16xf32> to vector<16xf32>
      %swap3A_40 = vector.shape_cast %broadcast_in_dim3A_35 : vector<16xf32> to vector<1x16xf32>
      tpu.vector_store %arg10[%swap3A_36, %swap3A_37], %swap3A_40 {strides = array<i32>} : memref<128x32xf32, #tpu.memory_space<vmem>>, vector<1x16xf32>,
      %scan3A_41 = arith.constant 0 : i32
      scf.yield %scan3A_41 : i32
    }
    %scan3A_6 = arith.constant 128 : i32
    %scan3A_7 = arith.constant 0 : i32
    %scan3A_8 = arith.constant 0 : i32
    %scan3A_9 = arith.constant 5 : i32
    %scan3A_10 = arith.addi %scan3A_8, %scan3A_9 : i32
    %scan3A_11 = arith.constant 1 : i32
    %scan3A_12 = scf.for %scan3A_27 = %scan3A_8 to %scan3A_10 step %scan3A_11 iter_args(%scan3A_28 = %scan3A_7) -> (i32)  : i32 {
      %mul3A_29 = arith.constant 640 : i32
      %mul3A_30 = arith.muli %arg1, %mul3A_29 : i32
      %mul3A_31 = arith.constant 128 : i32
      %mul3A_32 = arith.muli %scan3A_27, %mul3A_31 : i32
      %add3A_33 = arith.addi %mul3A_30, %mul3A_32 : i32
      "tpu.region"() ({
        %run_scoped3A_35 = tpu.sem_alloc : memref<!tpu.dma_semaphore, #tpu.memory_space<semaphore_mem>>
        %dma_start3A = arith.constant 0 : i32
        %dma_start3A_36 = tpu.memref_slice %arg11[%add3A_33, %dma_start3A] : memref<10240x32xf32, #tpu.memory_space<vmem_shared>> -> memref<128x32xf32, #tpu.memory_space<vmem_shared>>
        %dma_start3A_37 = arith.constant 0 : i32
        %dma_start3A_38 = tpu.memref_slice %arg11[%add3A_33, %dma_start3A_37] : memref<10240x32xf32, #tpu.memory_space<vmem_shared>> -> memref<128x32xf32, #tpu.memory_space<vmem_shared>>
        tpu.enqueue_dma source(%arg10 : memref<128x32xf32, #tpu.memory_space<vmem>>) target(%dma_start3A_38 : memref<128x32xf32, #tpu.memory_space<vmem_shared>>) target_semaphore(%run_scoped3A_35 : memref<!tpu.dma_semaphore, #tpu.memory_space<semaphore_mem>>)
        %dma_wait3A = arith.constant 0 : i32
        %dma_wait3A_39 = tpu.memref_slice %arg11[%add3A_33, %dma_wait3A] : memref<10240x32xf32, #tpu.memory_space<vmem_shared>> -> memref<128x32xf32, #tpu.memory_space<vmem_shared>>
        %dma_wait3A_40 = arith.constant 0 : i32
        %dma_wait3A_41 = tpu.memref_slice %arg11[%add3A_33, %dma_wait3A_40] : memref<10240x32xf32, #tpu.memory_space<vmem_shared>> -> memref<128x32xf32, #tpu.memory_space<vmem_shared>>
        tpu.wait_dma2 semaphore(%run_scoped3A_35 : memref<!tpu.dma_semaphore, #tpu.memory_space<semaphore_mem>>) src(%arg10 : memref<128x32xf32, #tpu.memory_space<vmem>>) dst(%dma_wait3A_41 : memref<128x32xf32, #tpu.memory_space<vmem_shared>>)
        tpu.yield
      }) : () -> ()
      %scan3A_34 = arith.constant 0 : i32
      scf.yield %scan3A_34 : i32
    }
    %scan3A_13 = arith.constant 5 : i32
    %barrier3A = arith.constant 0 : index
    tpu.barrier barrier_id(%barrier3A)
    %eq3A = arith.constant 0 : i32
    %eq3A_14 = arith.cmpi eq, %arg0, %eq3A : i32
    %convert_element_type3A = arith.extui %eq3A_14 : i1 to i32
    %cond3A = arith.constant 0 : i32
    %cond3A_15 = arith.cmpi ne, %convert_element_type3A, %cond3A : i32
    scf.if %cond3A_15 {
      %dma_start3A = arith.constant 0 : i32
      %dma_start3A_27 = arith.constant 0 : i32
      %dma_start3A_28 = tpu.memref_slice %arg6[%dma_start3A, %dma_start3A_27] : memref<250x80xi32, #tpu.memory_space<vmem>> -> memref<1x80xi32, #tpu.memory_space<vmem>>
      %dma_start3A_29 = tpu.memref_squeeze %dma_start3A_28 : memref<1x80xi32, #tpu.memory_space<vmem>> -> memref<80xi32, #tpu.memory_space<vmem>>
      %dma_start3A_30 = arith.constant 0 : i32
      %dma_start3A_31 = arith.constant 0 : i32
      %dma_start3A_32 = tpu.memref_slice %arg2[%dma_start3A_30, %dma_start3A_31] : memref<10240x32xf32, #tpu.memory_space<hbm>> -> memref<10240x32xf32, #tpu.memory_space<hbm>>
      tpu.enqueue_indirect_dma source(%dma_start3A_32 : memref<10240x32xf32, #tpu.memory_space<hbm>>) target(%arg8 : memref<80x32xf32, #tpu.memory_space<vmem>>) offsets(%dma_start3A_29 : memref<80xi32, #tpu.memory_space<vmem>>) semaphore(%arg12 : memref<!tpu.dma_semaphore, #tpu.memory_space<semaphore_mem>>)
      %dma_start3A_33 = arith.constant 1 : i32
      %dma_start3A_34 = arith.constant 0 : i32
      %dma_start3A_35 = tpu.memref_slice %arg6[%dma_start3A_33, %dma_start3A_34] : memref<250x80xi32, #tpu.memory_space<vmem>> -> memref<1x80xi32, #tpu.memory_space<vmem>>
      %dma_start3A_36 = tpu.memref_squeeze %dma_start3A_35 : memref<1x80xi32, #tpu.memory_space<vmem>> -> memref<80xi32, #tpu.memory_space<vmem>>
      %dma_start3A_37 = arith.constant 0 : i32
      %dma_start3A_38 = arith.constant 0 : i32
      %dma_start3A_39 = tpu.memref_slice %arg2[%dma_start3A_37, %dma_start3A_38] : memref<10240x32xf32, #tpu.memory_space<hbm>> -> memref<10240x32xf32, #tpu.memory_space<hbm>>
      tpu.enqueue_indirect_dma source(%dma_start3A_39 : memref<10240x32xf32, #tpu.memory_space<hbm>>) target(%arg9 : memref<80x32xf32, #tpu.memory_space<vmem>>) offsets(%dma_start3A_36 : memref<80xi32, #tpu.memory_space<vmem>>) semaphore(%arg13 : memref<!tpu.dma_semaphore, #tpu.memory_space<semaphore_mem>>)
      %scan3A_40 = arith.constant 0 : i32
      %scan3A_41 = arith.constant 0 : i32
      %scan3A_42 = arith.constant 124 : i32
      %scan3A_43 = arith.addi %scan3A_41, %scan3A_42 : i32
      %scan3A_44 = arith.constant 1 : i32
      %scan3A_45 = scf.for %scan3A_62 = %scan3A_41 to %scan3A_43 step %scan3A_44 iter_args(%scan3A_63 = %scan3A_40) -> (i32)  : i32 {
        %mul3A_64 = arith.constant 2 : i32
        %mul3A_65 = arith.muli %mul3A_64, %scan3A_62 : i32
        %dma_wait3A_66 = arith.constant 0 : i32
        %dma_wait3A_67 = tpu.memref_slice %arg6[%mul3A_65, %dma_wait3A_66] : memref<250x80xi32, #tpu.memory_space<vmem>> -> memref<1x80xi32, #tpu.memory_space<vmem>>
        %dma_wait3A_68 = tpu.memref_squeeze %dma_wait3A_67 : memref<1x80xi32, #tpu.memory_space<vmem>> -> memref<80xi32, #tpu.memory_space<vmem>>
        %dma_wait3A_69 = arith.constant 0 : i32
        %dma_wait3A_70 = arith.constant 0 : i32
        %dma_wait3A_71 = tpu.memref_slice %arg2[%dma_wait3A_69, %dma_wait3A_70] : memref<10240x32xf32, #tpu.memory_space<hbm>> -> memref<10240x32xf32, #tpu.memory_space<hbm>>
        tpu.wait_indirect_dma semaphore(%arg12 : memref<!tpu.dma_semaphore, #tpu.memory_space<semaphore_mem>>) src(%dma_wait3A_71 : memref<10240x32xf32, #tpu.memory_space<hbm>>) dst(%arg8 : memref<80x32xf32, #tpu.memory_space<vmem>>)
        "tpu.region"() ({
          %run_scoped3A_103 = tpu.sem_alloc : memref<!tpu.dma_semaphore, #tpu.memory_space<semaphore_mem>>
          %dma_start3A_104 = arith.constant 0 : i32
          %dma_start3A_105 = tpu.memref_slice %arg7[%mul3A_65, %dma_start3A_104] : memref<250x80xi32, #tpu.memory_space<vmem>> -> memref<1x80xi32, #tpu.memory_space<vmem>>
          %dma_start3A_106 = tpu.memref_squeeze %dma_start3A_105 : memref<1x80xi32, #tpu.memory_space<vmem>> -> memref<80xi32, #tpu.memory_space<vmem>>
          %dma_start3A_107 = arith.constant 0 : i32
          %dma_start3A_108 = arith.constant 0 : i32
          %dma_start3A_109 = tpu.memref_slice %arg11[%dma_start3A_107, %dma_start3A_108] : memref<10240x32xf32, #tpu.memory_space<vmem_shared>> -> memref<10240x32xf32, #tpu.memory_space<vmem_shared>>
          tpu.enqueue_indirect_dma source(%arg8 : memref<80x32xf32, #tpu.memory_space<vmem>>) target(%dma_start3A_109 : memref<10240x32xf32, #tpu.memory_space<vmem_shared>>) offsets(%dma_start3A_106 : memref<80xi32, #tpu.memory_space<vmem>>) semaphore(%run_scoped3A_103 : memref<!tpu.dma_semaphore, #tpu.memory_space<semaphore_mem>>) {add = true}
          %dma_wait3A_110 = arith.constant 0 : i32
          %dma_wait3A_111 = tpu.memref_slice %arg7[%mul3A_65, %dma_wait3A_110] : memref<250x80xi32, #tpu.memory_space<vmem>> -> memref<1x80xi32, #tpu.memory_space<vmem>>
          %dma_wait3A_112 = tpu.memref_squeeze %dma_wait3A_111 : memref<1x80xi32, #tpu.memory_space<vmem>> -> memref<80xi32, #tpu.memory_space<vmem>>
          %dma_wait3A_113 = arith.constant 0 : i32
          %dma_wait3A_114 = arith.constant 0 : i32
          %dma_wait3A_115 = tpu.memref_slice %arg11[%dma_wait3A_113, %dma_wait3A_114] : memref<10240x32xf32, #tpu.memory_space<vmem_shared>> -> memref<10240x32xf32, #tpu.memory_space<vmem_shared>>
          tpu.wait_indirect_dma semaphore(%run_scoped3A_103 : memref<!tpu.dma_semaphore, #tpu.memory_space<semaphore_mem>>) src(%arg8 : memref<80x32xf32, #tpu.memory_space<vmem>>) dst(%dma_wait3A_115 : memref<10240x32xf32, #tpu.memory_space<vmem_shared>>)
          tpu.yield
        }) : () -> ()
        %mul3A_72 = arith.constant 2 : i32
        %mul3A_73 = arith.muli %mul3A_72, %scan3A_62 : i32
        %add3A_74 = arith.constant 2 : i32
        %add3A_75 = arith.addi %mul3A_73, %add3A_74 : i32
        %dma_start3A_76 = arith.constant 0 : i32
        %dma_start3A_77 = tpu.memref_slice %arg6[%add3A_75, %dma_start3A_76] : memref<250x80xi32, #tpu.memory_space<vmem>> -> memref<1x80xi32, #tpu.memory_space<vmem>>
        %dma_start3A_78 = tpu.memref_squeeze %dma_start3A_77 : memref<1x80xi32, #tpu.memory_space<vmem>> -> memref<80xi32, #tpu.memory_space<vmem>>
        %dma_start3A_79 = arith.constant 0 : i32
        %dma_start3A_80 = arith.constant 0 : i32
        %dma_start3A_81 = tpu.memref_slice %arg2[%dma_start3A_79, %dma_start3A_80] : memref<10240x32xf32, #tpu.memory_space<hbm>> -> memref<10240x32xf32, #tpu.memory_space<hbm>>
        tpu.enqueue_indirect_dma source(%dma_start3A_81 : memref<10240x32xf32, #tpu.memory_space<hbm>>) target(%arg8 : memref<80x32xf32, #tpu.memory_space<vmem>>) offsets(%dma_start3A_78 : memref<80xi32, #tpu.memory_space<vmem>>) semaphore(%arg12 : memref<!tpu.dma_semaphore, #tpu.memory_space<semaphore_mem>>)
        %mul3A_82 = arith.constant 2 : i32
        %mul3A_83 = arith.muli %mul3A_82, %scan3A_62 : i32
        %add3A_84 = arith.constant 1 : i32
        %add3A_85 = arith.addi %mul3A_83, %add3A_84 : i32
        %dma_wait3A_86 = arith.constant 0 : i32
        %dma_wait3A_87 = tpu.memref_slice %arg6[%add3A_85, %dma_wait3A_86] : memref<250x80xi32, #tpu.memory_space<vmem>> -> memref<1x80xi32, #tpu.memory_space<vmem>>
        %dma_wait3A_88 = tpu.memref_squeeze %dma_wait3A_87 : memref<1x80xi32, #tpu.memory_space<vmem>> -> memref<80xi32, #tpu.memory_space<vmem>>
        %dma_wait3A_89 = arith.constant 0 : i32
        %dma_wait3A_90 = arith.constant 0 : i32
        %dma_wait3A_91 = tpu.memref_slice %arg2[%dma_wait3A_89, %dma_wait3A_90] : memref<10240x32xf32, #tpu.memory_space<hbm>> -> memref<10240x32xf32, #tpu.memory_space<hbm>>
        tpu.wait_indirect_dma semaphore(%arg13 : memref<!tpu.dma_semaphore, #tpu.memory_space<semaphore_mem>>) src(%dma_wait3A_91 : memref<10240x32xf32, #tpu.memory_space<hbm>>) dst(%arg9 : memref<80x32xf32, #tpu.memory_space<vmem>>)
        "tpu.region"() ({
          %run_scoped3A_103 = tpu.sem_alloc : memref<!tpu.dma_semaphore, #tpu.memory_space<semaphore_mem>>
          %dma_start3A_104 = arith.constant 0 : i32
          %dma_start3A_105 = tpu.memref_slice %arg7[%add3A_85, %dma_start3A_104] : memref<250x80xi32, #tpu.memory_space<vmem>> -> memref<1x80xi32, #tpu.memory_space<vmem>>
          %dma_start3A_106 = tpu.memref_squeeze %dma_start3A_105 : memref<1x80xi32, #tpu.memory_space<vmem>> -> memref<80xi32, #tpu.memory_space<vmem>>
          %dma_start3A_107 = arith.constant 0 : i32
          %dma_start3A_108 = arith.constant 0 : i32
          %dma_start3A_109 = tpu.memref_slice %arg11[%dma_start3A_107, %dma_start3A_108] : memref<10240x32xf32, #tpu.memory_space<vmem_shared>> -> memref<10240x32xf32, #tpu.memory_space<vmem_shared>>
          tpu.enqueue_indirect_dma source(%arg9 : memref<80x32xf32, #tpu.memory_space<vmem>>) target(%dma_start3A_109 : memref<10240x32xf32, #tpu.memory_space<vmem_shared>>) offsets(%dma_start3A_106 : memref<80xi32, #tpu.memory_space<vmem>>) semaphore(%run_scoped3A_103 : memref<!tpu.dma_semaphore, #tpu.memory_space<semaphore_mem>>) {add = true}
          %dma_wait3A_110 = arith.constant 0 : i32
          %dma_wait3A_111 = tpu.memref_slice %arg7[%add3A_85, %dma_wait3A_110] : memref<250x80xi32, #tpu.memory_space<vmem>> -> memref<1x80xi32, #tpu.memory_space<vmem>>
          %dma_wait3A_112 = tpu.memref_squeeze %dma_wait3A_111 : memref<1x80xi32, #tpu.memory_space<vmem>> -> memref<80xi32, #tpu.memory_space<vmem>>
          %dma_wait3A_113 = arith.constant 0 : i32
          %dma_wait3A_114 = arith.constant 0 : i32
          %dma_wait3A_115 = tpu.memref_slice %arg11[%dma_wait3A_113, %dma_wait3A_114] : memref<10240x32xf32, #tpu.memory_space<vmem_shared>> -> memref<10240x32xf32, #tpu.memory_space<vmem_shared>>
          tpu.wait_indirect_dma semaphore(%run_scoped3A_103 : memref<!tpu.dma_semaphore, #tpu.memory_space<semaphore_mem>>) src(%arg9 : memref<80x32xf32, #tpu.memory_space<vmem>>) dst(%dma_wait3A_115 : memref<10240x32xf32, #tpu.memory_space<vmem_shared>>)
          tpu.yield
        }) : () -> ()
        %mul3A_92 = arith.constant 2 : i32
        %mul3A_93 = arith.muli %mul3A_92, %scan3A_62 : i32
        %add3A_94 = arith.constant 3 : i32
        %add3A_95 = arith.addi %mul3A_93, %add3A_94 : i32
        %dma_start3A_96 = arith.constant 0 : i32
        %dma_start3A_97 = tpu.memref_slice %arg6[%add3A_95, %dma_start3A_96] : memref<250x80xi32, #tpu.memory_space<vmem>> -> memref<1x80xi32, #tpu.memory_space<vmem>>
        %dma_start3A_98 = tpu.memref_squeeze %dma_start3A_97 : memref<1x80xi32, #tpu.memory_space<vmem>> -> memref<80xi32, #tpu.memory_space<vmem>>
        %dma_start3A_99 = arith.constant 0 : i32
        %dma_start3A_100 = arith.constant 0 : i32
        %dma_start3A_101 = tpu.memref_slice %arg2[%dma_start3A_99, %dma_start3A_100] : memref<10240x32xf32, #tpu.memory_space<hbm>> -> memref<10240x32xf32, #tpu.memory_space<hbm>>
        tpu.enqueue_indirect_dma source(%dma_start3A_101 : memref<10240x32xf32, #tpu.memory_space<hbm>>) target(%arg9 : memref<80x32xf32, #tpu.memory_space<vmem>>) offsets(%dma_start3A_98 : memref<80xi32, #tpu.memory_space<vmem>>) semaphore(%arg13 : memref<!tpu.dma_semaphore, #tpu.memory_space<semaphore_mem>>)
        %scan3A_102 = arith.constant 0 : i32
        scf.yield %scan3A_102 : i32
      }
      %scan3A_46 = arith.constant 124 : i32
      %dma_wait3A = arith.constant 248 : i32
      %dma_wait3A_47 = arith.constant 0 : i32
      %dma_wait3A_48 = tpu.memref_slice %arg6[%dma_wait3A, %dma_wait3A_47] : memref<250x80xi32, #tpu.memory_space<vmem>> -> memref<1x80xi32, #tpu.memory_space<vmem>>
      %dma_wait3A_49 = tpu.memref_squeeze %dma_wait3A_48 : memref<1x80xi32, #tpu.memory_space<vmem>> -> memref<80xi32, #tpu.memory_space<vmem>>
      %dma_wait3A_50 = arith.constant 0 : i32
      %dma_wait3A_51 = arith.constant 0 : i32
      %dma_wait3A_52 = tpu.memref_slice %arg2[%dma_wait3A_50, %dma_wait3A_51] : memref<10240x32xf32, #tpu.memory_space<hbm>> -> memref<10240x32xf32, #tpu.memory_space<hbm>>
      tpu.wait_indirect_dma semaphore(%arg12 : memref<!tpu.dma_semaphore, #tpu.memory_space<semaphore_mem>>) src(%dma_wait3A_52 : memref<10240x32xf32, #tpu.memory_space<hbm>>) dst(%arg8 : memref<80x32xf32, #tpu.memory_space<vmem>>)
      %run_scoped3A_53 = arith.constant 248 : i32
      "tpu.region"() ({
        %run_scoped3A_62 = tpu.sem_alloc : memref<!tpu.dma_semaphore, #tpu.memory_space<semaphore_mem>>
        %dma_start3A_63 = arith.constant 0 : i32
        %dma_start3A_64 = tpu.memref_slice %arg7[%run_scoped3A_53, %dma_start3A_63] : memref<250x80xi32, #tpu.memory_space<vmem>> -> memref<1x80xi32, #tpu.memory_space<vmem>>
        %dma_start3A_65 = tpu.memref_squeeze %dma_start3A_64 : memref<1x80xi32, #tpu.memory_space<vmem>> -> memref<80xi32, #tpu.memory_space<vmem>>
        %dma_start3A_66 = arith.constant 0 : i32
        %dma_start3A_67 = arith.constant 0 : i32
        %dma_start3A_68 = tpu.memref_slice %arg11[%dma_start3A_66, %dma_start3A_67] : memref<10240x32xf32, #tpu.memory_space<vmem_shared>> -> memref<10240x32xf32, #tpu.memory_space<vmem_shared>>
        tpu.enqueue_indirect_dma source(%arg8 : memref<80x32xf32, #tpu.memory_space<vmem>>) target(%dma_start3A_68 : memref<10240x32xf32, #tpu.memory_space<vmem_shared>>) offsets(%dma_start3A_65 : memref<80xi32, #tpu.memory_space<vmem>>) semaphore(%run_scoped3A_62 : memref<!tpu.dma_semaphore, #tpu.memory_space<semaphore_mem>>) {add = true}
        %dma_wait3A_69 = arith.constant 0 : i32
        %dma_wait3A_70 = tpu.memref_slice %arg7[%run_scoped3A_53, %dma_wait3A_69] : memref<250x80xi32, #tpu.memory_space<vmem>> -> memref<1x80xi32, #tpu.memory_space<vmem>>
        %dma_wait3A_71 = tpu.memref_squeeze %dma_wait3A_70 : memref<1x80xi32, #tpu.memory_space<vmem>> -> memref<80xi32, #tpu.memory_space<vmem>>
        %dma_wait3A_72 = arith.constant 0 : i32
        %dma_wait3A_73 = arith.constant 0 : i32
        %dma_wait3A_74 = tpu.memref_slice %arg11[%dma_wait3A_72, %dma_wait3A_73] : memref<10240x32xf32, #tpu.memory_space<vmem_shared>> -> memref<10240x32xf32, #tpu.memory_space<vmem_shared>>
        tpu.wait_indirect_dma semaphore(%run_scoped3A_62 : memref<!tpu.dma_semaphore, #tpu.memory_space<semaphore_mem>>) src(%arg8 : memref<80x32xf32, #tpu.memory_space<vmem>>) dst(%dma_wait3A_74 : memref<10240x32xf32, #tpu.memory_space<vmem_shared>>)
        tpu.yield
      }) : () -> ()
      %dma_wait3A_54 = arith.constant 249 : i32
      %dma_wait3A_55 = arith.constant 0 : i32
      %dma_wait3A_56 = tpu.memref_slice %arg6[%dma_wait3A_54, %dma_wait3A_55] : memref<250x80xi32, #tpu.memory_space<vmem>> -> memref<1x80xi32, #tpu.memory_space<vmem>>
      %dma_wait3A_57 = tpu.memref_squeeze %dma_wait3A_56 : memref<1x80xi32, #tpu.memory_space<vmem>> -> memref<80xi32, #tpu.memory_space<vmem>>
      %dma_wait3A_58 = arith.constant 0 : i32
      %dma_wait3A_59 = arith.constant 0 : i32
      %dma_wait3A_60 = tpu.memref_slice %arg2[%dma_wait3A_58, %dma_wait3A_59] : memref<10240x32xf32, #tpu.memory_space<hbm>> -> memref<10240x32xf32, #tpu.memory_space<hbm>>
      tpu.wait_indirect_dma semaphore(%arg13 : memref<!tpu.dma_semaphore, #tpu.memory_space<semaphore_mem>>) src(%dma_wait3A_60 : memref<10240x32xf32, #tpu.memory_space<hbm>>) dst(%arg9 : memref<80x32xf32, #tpu.memory_space<vmem>>)
      %run_scoped3A_61 = arith.constant 249 : i32
      "tpu.region"() ({
        %run_scoped3A_62 = tpu.sem_alloc : memref<!tpu.dma_semaphore, #tpu.memory_space<semaphore_mem>>
        %dma_start3A_63 = arith.constant 0 : i32
        %dma_start3A_64 = tpu.memref_slice %arg7[%run_scoped3A_61, %dma_start3A_63] : memref<250x80xi32, #tpu.memory_space<vmem>> -> memref<1x80xi32, #tpu.memory_space<vmem>>
        %dma_start3A_65 = tpu.memref_squeeze %dma_start3A_64 : memref<1x80xi32, #tpu.memory_space<vmem>> -> memref<80xi32, #tpu.memory_space<vmem>>
        %dma_start3A_66 = arith.constant 0 : i32
        %dma_start3A_67 = arith.constant 0 : i32
        %dma_start3A_68 = tpu.memref_slice %arg11[%dma_start3A_66, %dma_start3A_67] : memref<10240x32xf32, #tpu.memory_space<vmem_shared>> -> memref<10240x32xf32, #tpu.memory_space<vmem_shared>>
        tpu.enqueue_indirect_dma source(%arg9 : memref<80x32xf32, #tpu.memory_space<vmem>>) target(%dma_start3A_68 : memref<10240x32xf32, #tpu.memory_space<vmem_shared>>) offsets(%dma_start3A_65 : memref<80xi32, #tpu.memory_space<vmem>>) semaphore(%run_scoped3A_62 : memref<!tpu.dma_semaphore, #tpu.memory_space<semaphore_mem>>) {add = true}
        %dma_wait3A_69 = arith.constant 0 : i32
        %dma_wait3A_70 = tpu.memref_slice %arg7[%run_scoped3A_61, %dma_wait3A_69] : memref<250x80xi32, #tpu.memory_space<vmem>> -> memref<1x80xi32, #tpu.memory_space<vmem>>
        %dma_wait3A_71 = tpu.memref_squeeze %dma_wait3A_70 : memref<1x80xi32, #tpu.memory_space<vmem>> -> memref<80xi32, #tpu.memory_space<vmem>>
        %dma_wait3A_72 = arith.constant 0 : i32
        %dma_wait3A_73 = arith.constant 0 : i32
        %dma_wait3A_74 = tpu.memref_slice %arg11[%dma_wait3A_72, %dma_wait3A_73] : memref<10240x32xf32, #tpu.memory_space<vmem_shared>> -> memref<10240x32xf32, #tpu.memory_space<vmem_shared>>
        tpu.wait_indirect_dma semaphore(%run_scoped3A_62 : memref<!tpu.dma_semaphore, #tpu.memory_space<semaphore_mem>>) src(%arg9 : memref<80x32xf32, #tpu.memory_space<vmem>>) dst(%dma_wait3A_74 : memref<10240x32xf32, #tpu.memory_space<vmem_shared>>)
        tpu.yield
      }) : () -> ()
    } else {
    }
    %eq3A_16 = arith.constant 1 : i32
    %eq3A_17 = arith.cmpi eq, %arg0, %eq3A_16 : i32
    %convert_element_type3A_18 = arith.extui %eq3A_17 : i1 to i32
    %cond3A_19 = arith.constant 0 : i32
    %cond3A_20 = arith.cmpi ne, %convert_element_type3A_18, %cond3A_19 : i32
    scf.if %cond3A_20 {
      %dma_start3A = arith.constant 0 : i32
      %dma_start3A_27 = arith.constant 0 : i32
      %dma_start3A_28 = tpu.memref_slice %arg6[%dma_start3A, %dma_start3A_27] : memref<250x80xi32, #tpu.memory_space<vmem>> -> memref<1x80xi32, #tpu.memory_space<vmem>>
      %dma_start3A_29 = tpu.memref_squeeze %dma_start3A_28 : memref<1x80xi32, #tpu.memory_space<vmem>> -> memref<80xi32, #tpu.memory_space<vmem>>
      %dma_start3A_30 = arith.constant 0 : i32
      %dma_start3A_31 = arith.constant 0 : i32
      %dma_start3A_32 = tpu.memref_slice %arg3[%dma_start3A_30, %dma_start3A_31] : memref<10240x32xf32, #tpu.memory_space<hbm>> -> memref<10240x32xf32, #tpu.memory_space<hbm>>
      tpu.enqueue_indirect_dma source(%dma_start3A_32 : memref<10240x32xf32, #tpu.memory_space<hbm>>) target(%arg8 : memref<80x32xf32, #tpu.memory_space<vmem>>) offsets(%dma_start3A_29 : memref<80xi32, #tpu.memory_space<vmem>>) semaphore(%arg12 : memref<!tpu.dma_semaphore, #tpu.memory_space<semaphore_mem>>)
      %dma_start3A_33 = arith.constant 1 : i32
      %dma_start3A_34 = arith.constant 0 : i32
      %dma_start3A_35 = tpu.memref_slice %arg6[%dma_start3A_33, %dma_start3A_34] : memref<250x80xi32, #tpu.memory_space<vmem>> -> memref<1x80xi32, #tpu.memory_space<vmem>>
      %dma_start3A_36 = tpu.memref_squeeze %dma_start3A_35 : memref<1x80xi32, #tpu.memory_space<vmem>> -> memref<80xi32, #tpu.memory_space<vmem>>
      %dma_start3A_37 = arith.constant 0 : i32
      %dma_start3A_38 = arith.constant 0 : i32
      %dma_start3A_39 = tpu.memref_slice %arg3[%dma_start3A_37, %dma_start3A_38] : memref<10240x32xf32, #tpu.memory_space<hbm>> -> memref<10240x32xf32, #tpu.memory_space<hbm>>
      tpu.enqueue_indirect_dma source(%dma_start3A_39 : memref<10240x32xf32, #tpu.memory_space<hbm>>) target(%arg9 : memref<80x32xf32, #tpu.memory_space<vmem>>) offsets(%dma_start3A_36 : memref<80xi32, #tpu.memory_space<vmem>>) semaphore(%arg13 : memref<!tpu.dma_semaphore, #tpu.memory_space<semaphore_mem>>)
      %scan3A_40 = arith.constant 0 : i32
      %scan3A_41 = arith.constant 0 : i32
      %scan3A_42 = arith.constant 124 : i32
      %scan3A_43 = arith.addi %scan3A_41, %scan3A_42 : i32
      %scan3A_44 = arith.constant 1 : i32
      %scan3A_45 = scf.for %scan3A_62 = %scan3A_41 to %scan3A_43 step %scan3A_44 iter_args(%scan3A_63 = %scan3A_40) -> (i32)  : i32 {
        %mul3A_64 = arith.constant 2 : i32
        %mul3A_65 = arith.muli %mul3A_64, %scan3A_62 : i32
        %dma_wait3A_66 = arith.constant 0 : i32
        %dma_wait3A_67 = tpu.memref_slice %arg6[%mul3A_65, %dma_wait3A_66] : memref<250x80xi32, #tpu.memory_space<vmem>> -> memref<1x80xi32, #tpu.memory_space<vmem>>
        %dma_wait3A_68 = tpu.memref_squeeze %dma_wait3A_67 : memref<1x80xi32, #tpu.memory_space<vmem>> -> memref<80xi32, #tpu.memory_space<vmem>>
        %dma_wait3A_69 = arith.constant 0 : i32
        %dma_wait3A_70 = arith.constant 0 : i32
        %dma_wait3A_71 = tpu.memref_slice %arg3[%dma_wait3A_69, %dma_wait3A_70] : memref<10240x32xf32, #tpu.memory_space<hbm>> -> memref<10240x32xf32, #tpu.memory_space<hbm>>
        tpu.wait_indirect_dma semaphore(%arg12 : memref<!tpu.dma_semaphore, #tpu.memory_space<semaphore_mem>>) src(%dma_wait3A_71 : memref<10240x32xf32, #tpu.memory_space<hbm>>) dst(%arg8 : memref<80x32xf32, #tpu.memory_space<vmem>>)
        "tpu.region"() ({
          %run_scoped3A_103 = tpu.sem_alloc : memref<!tpu.dma_semaphore, #tpu.memory_space<semaphore_mem>>
          %dma_start3A_104 = arith.constant 0 : i32
          %dma_start3A_105 = tpu.memref_slice %arg7[%mul3A_65, %dma_start3A_104] : memref<250x80xi32, #tpu.memory_space<vmem>> -> memref<1x80xi32, #tpu.memory_space<vmem>>
          %dma_start3A_106 = tpu.memref_squeeze %dma_start3A_105 : memref<1x80xi32, #tpu.memory_space<vmem>> -> memref<80xi32, #tpu.memory_space<vmem>>
          %dma_start3A_107 = arith.constant 0 : i32
          %dma_start3A_108 = arith.constant 0 : i32
          %dma_start3A_109 = tpu.memref_slice %arg11[%dma_start3A_107, %dma_start3A_108] : memref<10240x32xf32, #tpu.memory_space<vmem_shared>> -> memref<10240x32xf32, #tpu.memory_space<vmem_shared>>
          tpu.enqueue_indirect_dma source(%arg8 : memref<80x32xf32, #tpu.memory_space<vmem>>) target(%dma_start3A_109 : memref<10240x32xf32, #tpu.memory_space<vmem_shared>>) offsets(%dma_start3A_106 : memref<80xi32, #tpu.memory_space<vmem>>) semaphore(%run_scoped3A_103 : memref<!tpu.dma_semaphore, #tpu.memory_space<semaphore_mem>>) {add = true}
          %dma_wait3A_110 = arith.constant 0 : i32
          %dma_wait3A_111 = tpu.memref_slice %arg7[%mul3A_65, %dma_wait3A_110] : memref<250x80xi32, #tpu.memory_space<vmem>> -> memref<1x80xi32, #tpu.memory_space<vmem>>
          %dma_wait3A_112 = tpu.memref_squeeze %dma_wait3A_111 : memref<1x80xi32, #tpu.memory_space<vmem>> -> memref<80xi32, #tpu.memory_space<vmem>>
          %dma_wait3A_113 = arith.constant 0 : i32
          %dma_wait3A_114 = arith.constant 0 : i32
          %dma_wait3A_115 = tpu.memref_slice %arg11[%dma_wait3A_113, %dma_wait3A_114] : memref<10240x32xf32, #tpu.memory_space<vmem_shared>> -> memref<10240x32xf32, #tpu.memory_space<vmem_shared>>
          tpu.wait_indirect_dma semaphore(%run_scoped3A_103 : memref<!tpu.dma_semaphore, #tpu.memory_space<semaphore_mem>>) src(%arg8 : memref<80x32xf32, #tpu.memory_space<vmem>>) dst(%dma_wait3A_115 : memref<10240x32xf32, #tpu.memory_space<vmem_shared>>)
          tpu.yield
        }) : () -> ()
        %mul3A_72 = arith.constant 2 : i32
        %mul3A_73 = arith.muli %mul3A_72, %scan3A_62 : i32
        %add3A_74 = arith.constant 2 : i32
        %add3A_75 = arith.addi %mul3A_73, %add3A_74 : i32
        %dma_start3A_76 = arith.constant 0 : i32
        %dma_start3A_77 = tpu.memref_slice %arg6[%add3A_75, %dma_start3A_76] : memref<250x80xi32, #tpu.memory_space<vmem>> -> memref<1x80xi32, #tpu.memory_space<vmem>>
        %dma_start3A_78 = tpu.memref_squeeze %dma_start3A_77 : memref<1x80xi32, #tpu.memory_space<vmem>> -> memref<80xi32, #tpu.memory_space<vmem>>
        %dma_start3A_79 = arith.constant 0 : i32
        %dma_start3A_80 = arith.constant 0 : i32
        %dma_start3A_81 = tpu.memref_slice %arg3[%dma_start3A_79, %dma_start3A_80] : memref<10240x32xf32, #tpu.memory_space<hbm>> -> memref<10240x32xf32, #tpu.memory_space<hbm>>
        tpu.enqueue_indirect_dma source(%dma_start3A_81 : memref<10240x32xf32, #tpu.memory_space<hbm>>) target(%arg8 : memref<80x32xf32, #tpu.memory_space<vmem>>) offsets(%dma_start3A_78 : memref<80xi32, #tpu.memory_space<vmem>>) semaphore(%arg12 : memref<!tpu.dma_semaphore, #tpu.memory_space<semaphore_mem>>)
        %mul3A_82 = arith.constant 2 : i32
        %mul3A_83 = arith.muli %mul3A_82, %scan3A_62 : i32
        %add3A_84 = arith.constant 1 : i32
        %add3A_85 = arith.addi %mul3A_83, %add3A_84 : i32
        %dma_wait3A_86 = arith.constant 0 : i32
        %dma_wait3A_87 = tpu.memref_slice %arg6[%add3A_85, %dma_wait3A_86] : memref<250x80xi32, #tpu.memory_space<vmem>> -> memref<1x80xi32, #tpu.memory_space<vmem>>
        %dma_wait3A_88 = tpu.memref_squeeze %dma_wait3A_87 : memref<1x80xi32, #tpu.memory_space<vmem>> -> memref<80xi32, #tpu.memory_space<vmem>>
        %dma_wait3A_89 = arith.constant 0 : i32
        %dma_wait3A_90 = arith.constant 0 : i32
        %dma_wait3A_91 = tpu.memref_slice %arg3[%dma_wait3A_89, %dma_wait3A_90] : memref<10240x32xf32, #tpu.memory_space<hbm>> -> memref<10240x32xf32, #tpu.memory_space<hbm>>
        tpu.wait_indirect_dma semaphore(%arg13 : memref<!tpu.dma_semaphore, #tpu.memory_space<semaphore_mem>>) src(%dma_wait3A_91 : memref<10240x32xf32, #tpu.memory_space<hbm>>) dst(%arg9 : memref<80x32xf32, #tpu.memory_space<vmem>>)
        "tpu.region"() ({
          %run_scoped3A_103 = tpu.sem_alloc : memref<!tpu.dma_semaphore, #tpu.memory_space<semaphore_mem>>
          %dma_start3A_104 = arith.constant 0 : i32
          %dma_start3A_105 = tpu.memref_slice %arg7[%add3A_85, %dma_start3A_104] : memref<250x80xi32, #tpu.memory_space<vmem>> -> memref<1x80xi32, #tpu.memory_space<vmem>>
          %dma_start3A_106 = tpu.memref_squeeze %dma_start3A_105 : memref<1x80xi32, #tpu.memory_space<vmem>> -> memref<80xi32, #tpu.memory_space<vmem>>
          %dma_start3A_107 = arith.constant 0 : i32
          %dma_start3A_108 = arith.constant 0 : i32
          %dma_start3A_109 = tpu.memref_slice %arg11[%dma_start3A_107, %dma_start3A_108] : memref<10240x32xf32, #tpu.memory_space<vmem_shared>> -> memref<10240x32xf32, #tpu.memory_space<vmem_shared>>
          tpu.enqueue_indirect_dma source(%arg9 : memref<80x32xf32, #tpu.memory_space<vmem>>) target(%dma_start3A_109 : memref<10240x32xf32, #tpu.memory_space<vmem_shared>>) offsets(%dma_start3A_106 : memref<80xi32, #tpu.memory_space<vmem>>) semaphore(%run_scoped3A_103 : memref<!tpu.dma_semaphore, #tpu.memory_space<semaphore_mem>>) {add = true}
          %dma_wait3A_110 = arith.constant 0 : i32
          %dma_wait3A_111 = tpu.memref_slice %arg7[%add3A_85, %dma_wait3A_110] : memref<250x80xi32, #tpu.memory_space<vmem>> -> memref<1x80xi32, #tpu.memory_space<vmem>>
          %dma_wait3A_112 = tpu.memref_squeeze %dma_wait3A_111 : memref<1x80xi32, #tpu.memory_space<vmem>> -> memref<80xi32, #tpu.memory_space<vmem>>
          %dma_wait3A_113 = arith.constant 0 : i32
          %dma_wait3A_114 = arith.constant 0 : i32
          %dma_wait3A_115 = tpu.memref_slice %arg11[%dma_wait3A_113, %dma_wait3A_114] : memref<10240x32xf32, #tpu.memory_space<vmem_shared>> -> memref<10240x32xf32, #tpu.memory_space<vmem_shared>>
          tpu.wait_indirect_dma semaphore(%run_scoped3A_103 : memref<!tpu.dma_semaphore, #tpu.memory_space<semaphore_mem>>) src(%arg9 : memref<80x32xf32, #tpu.memory_space<vmem>>) dst(%dma_wait3A_115 : memref<10240x32xf32, #tpu.memory_space<vmem_shared>>)
          tpu.yield
        }) : () -> ()
        %mul3A_92 = arith.constant 2 : i32
        %mul3A_93 = arith.muli %mul3A_92, %scan3A_62 : i32
        %add3A_94 = arith.constant 3 : i32
        %add3A_95 = arith.addi %mul3A_93, %add3A_94 : i32
        %dma_start3A_96 = arith.constant 0 : i32
        %dma_start3A_97 = tpu.memref_slice %arg6[%add3A_95, %dma_start3A_96] : memref<250x80xi32, #tpu.memory_space<vmem>> -> memref<1x80xi32, #tpu.memory_space<vmem>>
        %dma_start3A_98 = tpu.memref_squeeze %dma_start3A_97 : memref<1x80xi32, #tpu.memory_space<vmem>> -> memref<80xi32, #tpu.memory_space<vmem>>
        %dma_start3A_99 = arith.constant 0 : i32
        %dma_start3A_100 = arith.constant 0 : i32
        %dma_start3A_101 = tpu.memref_slice %arg3[%dma_start3A_99, %dma_start3A_100] : memref<10240x32xf32, #tpu.memory_space<hbm>> -> memref<10240x32xf32, #tpu.memory_space<hbm>>
        tpu.enqueue_indirect_dma source(%dma_start3A_101 : memref<10240x32xf32, #tpu.memory_space<hbm>>) target(%arg9 : memref<80x32xf32, #tpu.memory_space<vmem>>) offsets(%dma_start3A_98 : memref<80xi32, #tpu.memory_space<vmem>>) semaphore(%arg13 : memref<!tpu.dma_semaphore, #tpu.memory_space<semaphore_mem>>)
        %scan3A_102 = arith.constant 0 : i32
        scf.yield %scan3A_102 : i32
      }
      %scan3A_46 = arith.constant 124 : i32
      %dma_wait3A = arith.constant 248 : i32
      %dma_wait3A_47 = arith.constant 0 : i32
      %dma_wait3A_48 = tpu.memref_slice %arg6[%dma_wait3A, %dma_wait3A_47] : memref<250x80xi32, #tpu.memory_space<vmem>> -> memref<1x80xi32, #tpu.memory_space<vmem>>
      %dma_wait3A_49 = tpu.memref_squeeze %dma_wait3A_48 : memref<1x80xi32, #tpu.memory_space<vmem>> -> memref<80xi32, #tpu.memory_space<vmem>>
      %dma_wait3A_50 = arith.constant 0 : i32
      %dma_wait3A_51 = arith.constant 0 : i32
      %dma_wait3A_52 = tpu.memref_slice %arg3[%dma_wait3A_50, %dma_wait3A_51] : memref<10240x32xf32, #tpu.memory_space<hbm>> -> memref<10240x32xf32, #tpu.memory_space<hbm>>
      tpu.wait_indirect_dma semaphore(%arg12 : memref<!tpu.dma_semaphore, #tpu.memory_space<semaphore_mem>>) src(%dma_wait3A_52 : memref<10240x32xf32, #tpu.memory_space<hbm>>) dst(%arg8 : memref<80x32xf32, #tpu.memory_space<vmem>>)
      %run_scoped3A_53 = arith.constant 248 : i32
      "tpu.region"() ({
        %run_scoped3A_62 = tpu.sem_alloc : memref<!tpu.dma_semaphore, #tpu.memory_space<semaphore_mem>>
        %dma_start3A_63 = arith.constant 0 : i32
        %dma_start3A_64 = tpu.memref_slice %arg7[%run_scoped3A_53, %dma_start3A_63] : memref<250x80xi32, #tpu.memory_space<vmem>> -> memref<1x80xi32, #tpu.memory_space<vmem>>
        %dma_start3A_65 = tpu.memref_squeeze %dma_start3A_64 : memref<1x80xi32, #tpu.memory_space<vmem>> -> memref<80xi32, #tpu.memory_space<vmem>>
        %dma_start3A_66 = arith.constant 0 : i32
        %dma_start3A_67 = arith.constant 0 : i32
        %dma_start3A_68 = tpu.memref_slice %arg11[%dma_start3A_66, %dma_start3A_67] : memref<10240x32xf32, #tpu.memory_space<vmem_shared>> -> memref<10240x32xf32, #tpu.memory_space<vmem_shared>>
        tpu.enqueue_indirect_dma source(%arg8 : memref<80x32xf32, #tpu.memory_space<vmem>>) target(%dma_start3A_68 : memref<10240x32xf32, #tpu.memory_space<vmem_shared>>) offsets(%dma_start3A_65 : memref<80xi32, #tpu.memory_space<vmem>>) semaphore(%run_scoped3A_62 : memref<!tpu.dma_semaphore, #tpu.memory_space<semaphore_mem>>) {add = true}
        %dma_wait3A_69 = arith.constant 0 : i32
        %dma_wait3A_70 = tpu.memref_slice %arg7[%run_scoped3A_53, %dma_wait3A_69] : memref<250x80xi32, #tpu.memory_space<vmem>> -> memref<1x80xi32, #tpu.memory_space<vmem>>
        %dma_wait3A_71 = tpu.memref_squeeze %dma_wait3A_70 : memref<1x80xi32, #tpu.memory_space<vmem>> -> memref<80xi32, #tpu.memory_space<vmem>>
        %dma_wait3A_72 = arith.constant 0 : i32
        %dma_wait3A_73 = arith.constant 0 : i32
        %dma_wait3A_74 = tpu.memref_slice %arg11[%dma_wait3A_72, %dma_wait3A_73] : memref<10240x32xf32, #tpu.memory_space<vmem_shared>> -> memref<10240x32xf32, #tpu.memory_space<vmem_shared>>
        tpu.wait_indirect_dma semaphore(%run_scoped3A_62 : memref<!tpu.dma_semaphore, #tpu.memory_space<semaphore_mem>>) src(%arg8 : memref<80x32xf32, #tpu.memory_space<vmem>>) dst(%dma_wait3A_74 : memref<10240x32xf32, #tpu.memory_space<vmem_shared>>)
        tpu.yield
      }) : () -> ()
      %dma_wait3A_54 = arith.constant 249 : i32
      %dma_wait3A_55 = arith.constant 0 : i32
      %dma_wait3A_56 = tpu.memref_slice %arg6[%dma_wait3A_54, %dma_wait3A_55] : memref<250x80xi32, #tpu.memory_space<vmem>> -> memref<1x80xi32, #tpu.memory_space<vmem>>
      %dma_wait3A_57 = tpu.memref_squeeze %dma_wait3A_56 : memref<1x80xi32, #tpu.memory_space<vmem>> -> memref<80xi32, #tpu.memory_space<vmem>>
      %dma_wait3A_58 = arith.constant 0 : i32
      %dma_wait3A_59 = arith.constant 0 : i32
      %dma_wait3A_60 = tpu.memref_slice %arg3[%dma_wait3A_58, %dma_wait3A_59] : memref<10240x32xf32, #tpu.memory_space<hbm>> -> memref<10240x32xf32, #tpu.memory_space<hbm>>
      tpu.wait_indirect_dma semaphore(%arg13 : memref<!tpu.dma_semaphore, #tpu.memory_space<semaphore_mem>>) src(%dma_wait3A_60 : memref<10240x32xf32, #tpu.memory_space<hbm>>) dst(%arg9 : memref<80x32xf32, #tpu.memory_space<vmem>>)
      %run_scoped3A_61 = arith.constant 249 : i32
      "tpu.region"() ({
        %run_scoped3A_62 = tpu.sem_alloc : memref<!tpu.dma_semaphore, #tpu.memory_space<semaphore_mem>>
        %dma_start3A_63 = arith.constant 0 : i32
        %dma_start3A_64 = tpu.memref_slice %arg7[%run_scoped3A_61, %dma_start3A_63] : memref<250x80xi32, #tpu.memory_space<vmem>> -> memref<1x80xi32, #tpu.memory_space<vmem>>
        %dma_start3A_65 = tpu.memref_squeeze %dma_start3A_64 : memref<1x80xi32, #tpu.memory_space<vmem>> -> memref<80xi32, #tpu.memory_space<vmem>>
        %dma_start3A_66 = arith.constant 0 : i32
        %dma_start3A_67 = arith.constant 0 : i32
        %dma_start3A_68 = tpu.memref_slice %arg11[%dma_start3A_66, %dma_start3A_67] : memref<10240x32xf32, #tpu.memory_space<vmem_shared>> -> memref<10240x32xf32, #tpu.memory_space<vmem_shared>>
        tpu.enqueue_indirect_dma source(%arg9 : memref<80x32xf32, #tpu.memory_space<vmem>>) target(%dma_start3A_68 : memref<10240x32xf32, #tpu.memory_space<vmem_shared>>) offsets(%dma_start3A_65 : memref<80xi32, #tpu.memory_space<vmem>>) semaphore(%run_scoped3A_62 : memref<!tpu.dma_semaphore, #tpu.memory_space<semaphore_mem>>) {add = true}
        %dma_wait3A_69 = arith.constant 0 : i32
        %dma_wait3A_70 = tpu.memref_slice %arg7[%run_scoped3A_61, %dma_wait3A_69] : memref<250x80xi32, #tpu.memory_space<vmem>> -> memref<1x80xi32, #tpu.memory_space<vmem>>
        %dma_wait3A_71 = tpu.memref_squeeze %dma_wait3A_70 : memref<1x80xi32, #tpu.memory_space<vmem>> -> memref<80xi32, #tpu.memory_space<vmem>>
        %dma_wait3A_72 = arith.constant 0 : i32
        %dma_wait3A_73 = arith.constant 0 : i32
        %dma_wait3A_74 = tpu.memref_slice %arg11[%dma_wait3A_72, %dma_wait3A_73] : memref<10240x32xf32, #tpu.memory_space<vmem_shared>> -> memref<10240x32xf32, #tpu.memory_space<vmem_shared>>
        tpu.wait_indirect_dma semaphore(%run_scoped3A_62 : memref<!tpu.dma_semaphore, #tpu.memory_space<semaphore_mem>>) src(%arg9 : memref<80x32xf32, #tpu.memory_space<vmem>>) dst(%dma_wait3A_74 : memref<10240x32xf32, #tpu.memory_space<vmem_shared>>)
        tpu.yield
      }) : () -> ()
    } else {
    }
    %barrier3A_21 = arith.constant 0 : index
    tpu.barrier barrier_id(%barrier3A_21)
    %mul3A = arith.constant 640 : i32
    %mul3A_22 = arith.muli %arg1, %mul3A : i32
    %mul3A_23 = arith.constant 10240 : i32
    %mul3A_24 = arith.muli %arg0, %mul3A_23 : i32
    %mul3A_25 = arith.constant 640 : i32
    %mul3A_26 = arith.muli %arg1, %mul3A_25 : i32
    %add3A = arith.addi %mul3A_24, %mul3A_26 : i32
    "tpu.region"() ({
      %run_scoped3A_27 = tpu.sem_alloc : memref<!tpu.dma_semaphore, #tpu.memory_space<semaphore_mem>>
      %dma_start3A = arith.constant 0 : i32
      %dma_start3A_28 = tpu.memref_slice %arg5[%add3A, %dma_start3A] : memref<20480x32xf32, #tpu.memory_space<hbm>> -> memref<640x32xf32, #tpu.memory_space<hbm>>
      %dma_start3A_29 = arith.constant 0 : i32
      %dma_start3A_30 = tpu.memref_slice %arg11[%mul3A_22, %dma_start3A_29] : memref<10240x32xf32, #tpu.memory_space<vmem_shared>> -> memref<640x32xf32, #tpu.memory_space<vmem_shared>>
      tpu.enqueue_dma source(%dma_start3A_30 : memref<640x32xf32, #tpu.memory_space<vmem_shared>>) target(%dma_start3A_28 : memref<640x32xf32, #tpu.memory_space<hbm>>) target_semaphore(%run_scoped3A_27 : memref<!tpu.dma_semaphore, #tpu.memory_space<semaphore_mem>>)
      %dma_wait3A = arith.constant 0 : i32
      %dma_wait3A_31 = tpu.memref_slice %arg5[%add3A, %dma_wait3A] : memref<20480x32xf32, #tpu.memory_space<hbm>> -> memref<640x32xf32, #tpu.memory_space<hbm>>
      %dma_wait3A_32 = arith.constant 0 : i32
      %dma_wait3A_33 = tpu.memref_slice %arg11[%mul3A_22, %dma_wait3A_32] : memref<10240x32xf32, #tpu.memory_space<vmem_shared>> -> memref<640x32xf32, #tpu.memory_space<vmem_shared>>
      tpu.wait_dma2 semaphore(%run_scoped3A_27 : memref<!tpu.dma_semaphore, #tpu.memory_space<semaphore_mem>>) src(%dma_wait3A_33 : memref<640x32xf32, #tpu.memory_space<vmem_shared>>) dst(%dma_wait3A_31 : memref<640x32xf32, #tpu.memory_space<hbm>>)
      tpu.yield
    }) : () -> ()
    return
  }
}

module attributes {stable_mosaic.version = 14 : i64} {
  func.func @_tc1_body(%arg0: i32, %arg1: memref<5120x16xf32, #tpu.memory_space<vmem>>, %arg2: memref<5120x16xf32, #tpu.memory_space<vmem>>, %arg3: memref<5120x128xf32, #tpu.memory_space<vmem>>, %arg4: memref<128x64xf32, #tpu.memory_space<vmem>>, %arg5: memref<5120x1xf32, #tpu.memory_space<vmem>>, %arg6: memref<5120x32xf32, #tpu.memory_space<vmem>>, %arg7: memref<5120x32xf32, #tpu.memory_space<vmem>>) attributes {dimension_semantics = [#tpu.dimension_semantics<arbitrary>], iteration_bounds = array<i64: 2>, scalar_prefetch = 0 : i64, scratch_operands = 0 : i64, tpu.core_type = #tpu.core_type<tc>, window_params = [{transform_indices = @transform_0, window_bounds = array<i64: 5120, 16>}, {transform_indices = @transform_1, window_bounds = array<i64: 5120, 16>}, {transform_indices = @transform_2, window_bounds = array<i64: 5120, 128>}, {pipeline_mode = #tpu.pipeline_mode<synchronous>, transform_indices = @transform_3, window_bounds = array<i64: 128, 64>}, {transform_indices = @transform_4, window_bounds = array<i64: 5120, 1>}, {transform_indices = @transform_5, window_bounds = array<i64: 5120, 32>}, {transform_indices = @transform_6, window_bounds = array<i64: 5120, 32>}]} {
    %get3A = arith.constant 0 : index
    %get3A_0 = arith.constant 0 : index
    %get3A_1 = vector.load %arg1[%get3A, %get3A_0] : memref<5120x16xf32, #tpu.memory_space<vmem>>, vector<5120x1xf32>
    %get3A_2 = arith.constant 0 : index
    %get3A_3 = arith.constant 0 : index
    %get3A_4 = vector.load %arg2[%get3A_2, %get3A_3] : memref<5120x16xf32, #tpu.memory_space<vmem>>, vector<5120x1xf32>
    %add3A = arith.addf %get3A_1, %get3A_4 : vector<5120x1xf32>
    %add3A_5 = arith.constant 1.000000e+00 : f32
    %add3A_6 = vector.broadcast %add3A_5 : f32 to vector<5120x1xf32>
    %add3A_7 = arith.addf %add3A, %add3A_6 : vector<5120x1xf32>
    %rsqrt3A = math.rsqrt %add3A_7 : vector<5120x1xf32>
    %get3A_8 = arith.constant 0 : index
    %get3A_9 = arith.constant 0 : index
    %get3A_10 = vector.load %arg3[%get3A_8, %get3A_9] : memref<5120x128xf32, #tpu.memory_space<vmem>>, vector<5120x128xf32>
    %get3A_11 = arith.constant 0 : index
    %get3A_12 = arith.constant 0 : index
    %get3A_13 = vector.load %arg4[%get3A_11, %get3A_12] : memref<128x64xf32, #tpu.memory_space<vmem>>, vector<128x64xf32>
    %dot_general3A = arith.constant dense<0.000000e+00> : vector<5120x64xf32>
    %dot_general3A_14 = tpu.matmul %get3A_10, %get3A_13, %dot_general3A {dimension_numbers = #tpu.dot_dimension_numbers<[1], [0], [0], [1], [0, 0, 1, 1], [], []>, transpose_lhs_hint = false} : vector<5120x128xf32>, vector<128x64xf32>, vector<5120x64xf32> -> vector<5120x64xf32>
    %mul3A = vector.broadcast %rsqrt3A : vector<5120x1xf32> to vector<5120x64xf32>
    %mul3A_15 = arith.mulf %dot_general3A_14, %mul3A : vector<5120x64xf32>
    %swap3A = arith.constant 0 : index
    %swap3A_16 = arith.constant 0 : index
    %swap3A_17 = vector.load %arg5[%swap3A, %swap3A_16] : memref<5120x1xf32, #tpu.memory_space<vmem>>, vector<5120x1xf32>
    tpu.vector_store %arg5[%swap3A, %swap3A_16], %rsqrt3A {strides = array<i32>} : memref<5120x1xf32, #tpu.memory_space<vmem>>, vector<5120x1xf32>,
    %slice3A = vector.extract_strided_slice %mul3A_15 {offsets = [0, 0], sizes = [5120, 32], strides = [1, 1]} : vector<5120x64xf32> to vector<5120x32xf32>
    %swap3A_18 = arith.constant 0 : index
    %swap3A_19 = arith.constant 0 : index
    %swap3A_20 = vector.load %arg6[%swap3A_18, %swap3A_19] : memref<5120x32xf32, #tpu.memory_space<vmem>>, vector<5120x32xf32>
    tpu.vector_store %arg6[%swap3A_18, %swap3A_19], %slice3A {strides = array<i32>} : memref<5120x32xf32, #tpu.memory_space<vmem>>, vector<5120x32xf32>,
    %slice3A_21 = vector.extract_strided_slice %mul3A_15 {offsets = [0, 32], sizes = [5120, 32], strides = [1, 1]} : vector<5120x64xf32> to vector<5120x32xf32>
    %swap3A_22 = arith.constant 0 : index
    %swap3A_23 = arith.constant 0 : index
    %swap3A_24 = vector.load %arg7[%swap3A_22, %swap3A_23] : memref<5120x32xf32, #tpu.memory_space<vmem>>, vector<5120x32xf32>
    tpu.vector_store %arg7[%swap3A_22, %swap3A_23], %slice3A_21 {strides = array<i32>} : memref<5120x32xf32, #tpu.memory_space<vmem>>, vector<5120x32xf32>,
    return
  }
  func.func @transform_0(%arg0: i32) -> (i32, i32) {
    %c0_i32 = arith.constant 0 : i32
    %c0_i32_0 = arith.constant 0 : i32
    return %arg0, %c0_i32 : i32, i32
  }
  func.func @transform_1(%arg0: i32) -> (i32, i32) {
    %add3A = arith.constant 2 : i32
    %add3A_0 = arith.addi %arg0, %add3A : i32
    %c0_i32 = arith.constant 0 : i32
    %c0_i32_1 = arith.constant 0 : i32
    return %add3A_0, %c0_i32 : i32, i32
  }
  func.func @transform_2(%arg0: i32) -> (i32, i32) {
    %c0_i32 = arith.constant 0 : i32
    %c0_i32_0 = arith.constant 0 : i32
    return %arg0, %c0_i32 : i32, i32
  }
  func.func @transform_3(%arg0: i32) -> (i32, i32) {
    %c0_i32 = arith.constant 0 : i32
    %c0_i32_0 = arith.constant 0 : i32
    %c0_i32_1 = arith.constant 0 : i32
    return %c0_i32, %c0_i32_0 : i32, i32
  }
  func.func @transform_4(%arg0: i32) -> (i32, i32) {
    %c0_i32 = arith.constant 0 : i32
    %c0_i32_0 = arith.constant 0 : i32
    return %arg0, %c0_i32 : i32, i32
  }
  func.func @transform_5(%arg0: i32) -> (i32, i32) {
    %c0_i32 = arith.constant 0 : i32
    %c0_i32_0 = arith.constant 0 : i32
    return %arg0, %c0_i32 : i32, i32
  }
  func.func @transform_6(%arg0: i32) -> (i32, i32) {
    %c0_i32 = arith.constant 0 : i32
    %c0_i32_0 = arith.constant 0 : i32
    return %arg0, %c0_i32 : i32, i32
  }
}

module attributes {stable_mosaic.version = 14 : i64} {
  func.func @_tc2_body(%arg0: i32, %arg1: memref<5120x32xf32, #tpu.memory_space<vmem>>, %arg2: memref<5120x32xf32, #tpu.memory_space<vmem>>, %arg3: memref<5120x32xf32, #tpu.memory_space<vmem>>, %arg4: memref<5120x32xf32, #tpu.memory_space<vmem>>, %arg5: memref<5120x1xf32, #tpu.memory_space<vmem>>, %arg6: memref<1x64xf32, #tpu.memory_space<vmem>>, %arg7: memref<64x128xf32, #tpu.memory_space<vmem>>, %arg8: memref<5120x64xf32, #tpu.memory_space<vmem>>, %arg9: memref<5120x64xf32, #tpu.memory_space<vmem>>) attributes {dimension_semantics = [#tpu.dimension_semantics<arbitrary>], iteration_bounds = array<i64: 2>, scalar_prefetch = 0 : i64, scratch_operands = 0 : i64, tpu.core_type = #tpu.core_type<tc>, window_params = [{transform_indices = @transform_0, window_bounds = array<i64: 5120, 32>}, {transform_indices = @transform_1, window_bounds = array<i64: 5120, 32>}, {transform_indices = @transform_2, window_bounds = array<i64: 5120, 32>}, {transform_indices = @transform_3, window_bounds = array<i64: 5120, 32>}, {transform_indices = @transform_4, window_bounds = array<i64: 5120, 1>}, {pipeline_mode = #tpu.pipeline_mode<synchronous>, transform_indices = @transform_5, window_bounds = array<i64: 1, 64>}, {pipeline_mode = #tpu.pipeline_mode<synchronous>, transform_indices = @transform_6, window_bounds = array<i64: 64, 128>}, {transform_indices = @transform_7, window_bounds = array<i64: 5120, 64>}, {transform_indices = @transform_8, window_bounds = array<i64: 5120, 64>}]} {
    %get3A = arith.constant 0 : index
    %get3A_0 = arith.constant 0 : index
    %get3A_1 = vector.load %arg5[%get3A, %get3A_0] : memref<5120x1xf32, #tpu.memory_space<vmem>>, vector<5120x1xf32>
    %get3A_2 = arith.constant 0 : index
    %get3A_3 = arith.constant 0 : index
    %get3A_4 = vector.load %arg1[%get3A_2, %get3A_3] : memref<5120x32xf32, #tpu.memory_space<vmem>>, vector<5120x32xf32>
    %get3A_5 = arith.constant 0 : index
    %get3A_6 = arith.constant 0 : index
    %get3A_7 = vector.load %arg2[%get3A_5, %get3A_6] : memref<5120x32xf32, #tpu.memory_space<vmem>>, vector<5120x32xf32>
    %concatenate3A = tpu.concatenate %get3A_4, %get3A_7 in 1 : vector<5120x32xf32>, vector<5120x32xf32> -> vector<5120x64xf32>
    %get3A_8 = arith.constant 0 : index
    %get3A_9 = arith.constant 0 : index
    %get3A_10 = vector.load %arg3[%get3A_8, %get3A_9] : memref<5120x32xf32, #tpu.memory_space<vmem>>, vector<5120x32xf32>
    %get3A_11 = arith.constant 0 : index
    %get3A_12 = arith.constant 0 : index
    %get3A_13 = vector.load %arg4[%get3A_11, %get3A_12] : memref<5120x32xf32, #tpu.memory_space<vmem>>, vector<5120x32xf32>
    %concatenate3A_14 = tpu.concatenate %get3A_10, %get3A_13 in 1 : vector<5120x32xf32>, vector<5120x32xf32> -> vector<5120x64xf32>
    %add3A = arith.addf %concatenate3A, %concatenate3A_14 : vector<5120x64xf32>
    %mul3A = vector.broadcast %get3A_1 : vector<5120x1xf32> to vector<5120x64xf32>
    %mul3A_15 = arith.mulf %mul3A, %add3A : vector<5120x64xf32>
    %get3A_16 = arith.constant 0 : index
    %get3A_17 = arith.constant 0 : index
    %get3A_18 = vector.load %arg6[%get3A_16, %get3A_17] : memref<1x64xf32, #tpu.memory_space<vmem>>, vector<1x64xf32>
    %add3A_19 = vector.broadcast %get3A_18 : vector<1x64xf32> to vector<5120x64xf32>
    %add3A_20 = arith.addf %mul3A_15, %add3A_19 : vector<5120x64xf32>
    %max3A = arith.constant 0.000000e+00 : f32
    %max3A_21 = vector.broadcast %max3A : f32 to vector<5120x64xf32>
    %max3A_22 = arith.maximumf %add3A_20, %max3A_21 : vector<5120x64xf32>
    %get3A_23 = arith.constant 0 : index
    %get3A_24 = arith.constant 0 : index
    %get3A_25 = vector.load %arg7[%get3A_23, %get3A_24] : memref<64x128xf32, #tpu.memory_space<vmem>>, vector<64x128xf32>
    %dot_general3A = arith.constant dense<0.000000e+00> : vector<5120x128xf32>
    %dot_general3A_26 = tpu.matmul %max3A_22, %get3A_25, %dot_general3A {dimension_numbers = #tpu.dot_dimension_numbers<[1], [0], [0], [1], [0, 0, 1, 1], [], []>, transpose_lhs_hint = false} : vector<5120x64xf32>, vector<64x128xf32>, vector<5120x128xf32> -> vector<5120x128xf32>
    %mul3A_27 = vector.broadcast %get3A_1 : vector<5120x1xf32> to vector<5120x128xf32>
    %mul3A_28 = arith.mulf %dot_general3A_26, %mul3A_27 : vector<5120x128xf32>
    %slice3A = vector.extract_strided_slice %mul3A_28 {offsets = [0, 0], sizes = [5120, 64], strides = [1, 1]} : vector<5120x128xf32> to vector<5120x64xf32>
    %swap3A = arith.constant 0 : index
    %swap3A_29 = arith.constant 0 : index
    %swap3A_30 = vector.load %arg8[%swap3A, %swap3A_29] : memref<5120x64xf32, #tpu.memory_space<vmem>>, vector<5120x64xf32>
    tpu.vector_store %arg8[%swap3A, %swap3A_29], %slice3A {strides = array<i32>} : memref<5120x64xf32, #tpu.memory_space<vmem>>, vector<5120x64xf32>,
    %slice3A_31 = vector.extract_strided_slice %mul3A_28 {offsets = [0, 64], sizes = [5120, 64], strides = [1, 1]} : vector<5120x128xf32> to vector<5120x64xf32>
    %swap3A_32 = arith.constant 0 : index
    %swap3A_33 = arith.constant 0 : index
    %swap3A_34 = vector.load %arg9[%swap3A_32, %swap3A_33] : memref<5120x64xf32, #tpu.memory_space<vmem>>, vector<5120x64xf32>
    tpu.vector_store %arg9[%swap3A_32, %swap3A_33], %slice3A_31 {strides = array<i32>} : memref<5120x64xf32, #tpu.memory_space<vmem>>, vector<5120x64xf32>,
    return
  }
  func.func @transform_0(%arg0: i32) -> (i32, i32) {
    %c0_i32 = arith.constant 0 : i32
    %c0_i32_0 = arith.constant 0 : i32
    return %arg0, %c0_i32 : i32, i32
  }
  func.func @transform_1(%arg0: i32) -> (i32, i32) {
    %add3A = arith.constant 2 : i32
    %add3A_0 = arith.addi %arg0, %add3A : i32
    %c0_i32 = arith.constant 0 : i32
    %c0_i32_1 = arith.constant 0 : i32
    return %add3A_0, %c0_i32 : i32, i32
  }
  func.func @transform_2(%arg0: i32) -> (i32, i32) {
    %c0_i32 = arith.constant 0 : i32
    %c0_i32_0 = arith.constant 0 : i32
    return %arg0, %c0_i32 : i32, i32
  }
  func.func @transform_3(%arg0: i32) -> (i32, i32) {
    %c0_i32 = arith.constant 0 : i32
    %c0_i32_0 = arith.constant 0 : i32
    return %arg0, %c0_i32 : i32, i32
  }
  func.func @transform_4(%arg0: i32) -> (i32, i32) {
    %c0_i32 = arith.constant 0 : i32
    %c0_i32_0 = arith.constant 0 : i32
    return %arg0, %c0_i32 : i32, i32
  }
  func.func @transform_5(%arg0: i32) -> (i32, i32) {
    %c0_i32 = arith.constant 0 : i32
    %c0_i32_0 = arith.constant 0 : i32
    %c0_i32_1 = arith.constant 0 : i32
    return %c0_i32, %c0_i32_0 : i32, i32
  }
  func.func @transform_6(%arg0: i32) -> (i32, i32) {
    %c0_i32 = arith.constant 0 : i32
    %c0_i32_0 = arith.constant 0 : i32
    %c0_i32_1 = arith.constant 0 : i32
    return %c0_i32, %c0_i32_0 : i32, i32
  }
  func.func @transform_7(%arg0: i32) -> (i32, i32) {
    %c0_i32 = arith.constant 0 : i32
    %c0_i32_0 = arith.constant 0 : i32
    return %arg0, %c0_i32 : i32, i32
  }
  func.func @transform_8(%arg0: i32) -> (i32, i32) {
    %c0_i32 = arith.constant 0 : i32
    %c0_i32_0 = arith.constant 0 : i32
    return %arg0, %c0_i32 : i32, i32
  }
}

module attributes {stable_mosaic.version = 14 : i64} {
  func.func @_tc3_body(%arg0: i32, %arg1: memref<5120x64xf32, #tpu.memory_space<vmem>>, %arg2: memref<5120x64xf32, #tpu.memory_space<vmem>>, %arg3: memref<5120x64xf32, #tpu.memory_space<vmem>>, %arg4: memref<5120x64xf32, #tpu.memory_space<vmem>>, %arg5: memref<5120x1xf32, #tpu.memory_space<vmem>>, %arg6: memref<1x128xf32, #tpu.memory_space<vmem>>, %arg7: memref<128x1xf32, #tpu.memory_space<vmem>>, %arg8: memref<1x1xf32, #tpu.memory_space<vmem>>, %arg9: memref<5120x1xf32, #tpu.memory_space<vmem>>) attributes {dimension_semantics = [#tpu.dimension_semantics<arbitrary>], iteration_bounds = array<i64: 2>, scalar_prefetch = 0 : i64, scratch_operands = 0 : i64, tpu.core_type = #tpu.core_type<tc>, window_params = [{transform_indices = @transform_0, window_bounds = array<i64: 5120, 64>}, {transform_indices = @transform_1, window_bounds = array<i64: 5120, 64>}, {transform_indices = @transform_2, window_bounds = array<i64: 5120, 64>}, {transform_indices = @transform_3, window_bounds = array<i64: 5120, 64>}, {transform_indices = @transform_4, window_bounds = array<i64: 5120, 1>}, {pipeline_mode = #tpu.pipeline_mode<synchronous>, transform_indices = @transform_5, window_bounds = array<i64: 1, 128>}, {pipeline_mode = #tpu.pipeline_mode<synchronous>, transform_indices = @transform_6, window_bounds = array<i64: 128, 1>}, {pipeline_mode = #tpu.pipeline_mode<synchronous>, transform_indices = @transform_7, window_bounds = array<i64: 1, 1>}, {transform_indices = @transform_8, window_bounds = array<i64: 5120, 1>}]} {
    %get3A = arith.constant 0 : index
    %get3A_0 = arith.constant 0 : index
    %get3A_1 = vector.load %arg5[%get3A, %get3A_0] : memref<5120x1xf32, #tpu.memory_space<vmem>>, vector<5120x1xf32>
    %get3A_2 = arith.constant 0 : index
    %get3A_3 = arith.constant 0 : index
    %get3A_4 = vector.load %arg1[%get3A_2, %get3A_3] : memref<5120x64xf32, #tpu.memory_space<vmem>>, vector<5120x64xf32>
    %get3A_5 = arith.constant 0 : index
    %get3A_6 = arith.constant 0 : index
    %get3A_7 = vector.load %arg2[%get3A_5, %get3A_6] : memref<5120x64xf32, #tpu.memory_space<vmem>>, vector<5120x64xf32>
    %concatenate3A = tpu.concatenate %get3A_4, %get3A_7 in 1 : vector<5120x64xf32>, vector<5120x64xf32> -> vector<5120x128xf32>
    %get3A_8 = arith.constant 0 : index
    %get3A_9 = arith.constant 0 : index
    %get3A_10 = vector.load %arg3[%get3A_8, %get3A_9] : memref<5120x64xf32, #tpu.memory_space<vmem>>, vector<5120x64xf32>
    %get3A_11 = arith.constant 0 : index
    %get3A_12 = arith.constant 0 : index
    %get3A_13 = vector.load %arg4[%get3A_11, %get3A_12] : memref<5120x64xf32, #tpu.memory_space<vmem>>, vector<5120x64xf32>
    %concatenate3A_14 = tpu.concatenate %get3A_10, %get3A_13 in 1 : vector<5120x64xf32>, vector<5120x64xf32> -> vector<5120x128xf32>
    %add3A = arith.addf %concatenate3A, %concatenate3A_14 : vector<5120x128xf32>
    %mul3A = vector.broadcast %get3A_1 : vector<5120x1xf32> to vector<5120x128xf32>
    %mul3A_15 = arith.mulf %mul3A, %add3A : vector<5120x128xf32>
    %get3A_16 = arith.constant 0 : index
    %get3A_17 = arith.constant 0 : index
    %get3A_18 = vector.load %arg6[%get3A_16, %get3A_17] : memref<1x128xf32, #tpu.memory_space<vmem>>, vector<1x128xf32>
    %add3A_19 = vector.broadcast %get3A_18 : vector<1x128xf32> to vector<5120x128xf32>
    %add3A_20 = arith.addf %mul3A_15, %add3A_19 : vector<5120x128xf32>
    %max3A = arith.constant 0.000000e+00 : f32
    %max3A_21 = vector.broadcast %max3A : f32 to vector<5120x128xf32>
    %max3A_22 = arith.maximumf %add3A_20, %max3A_21 : vector<5120x128xf32>
    %get3A_23 = arith.constant 0 : index
    %get3A_24 = arith.constant 0 : index
    %get3A_25 = vector.load %arg7[%get3A_23, %get3A_24] : memref<128x1xf32, #tpu.memory_space<vmem>>, vector<128x1xf32>
    %dot_general3A = arith.constant dense<0.000000e+00> : vector<5120x1xf32>
    %dot_general3A_26 = tpu.matmul %max3A_22, %get3A_25, %dot_general3A {dimension_numbers = #tpu.dot_dimension_numbers<[1], [0], [0], [1], [0, 0, 1, 1], [], []>, transpose_lhs_hint = false} : vector<5120x128xf32>, vector<128x1xf32>, vector<5120x1xf32> -> vector<5120x1xf32>
    %get3A_27 = arith.constant 0 : index
    %get3A_28 = arith.constant 0 : index
    %get3A_29 = vector.load %arg8[%get3A_27, %get3A_28] : memref<1x1xf32, #tpu.memory_space<vmem>>, vector<1x1xf32>
    %add3A_30 = vector.broadcast %get3A_29 : vector<1x1xf32> to vector<5120x1xf32>
    %add3A_31 = arith.addf %dot_general3A_26, %add3A_30 : vector<5120x1xf32>
    %swap3A = arith.constant 0 : index
    %swap3A_32 = arith.constant 0 : index
    %swap3A_33 = vector.load %arg9[%swap3A, %swap3A_32] : memref<5120x1xf32, #tpu.memory_space<vmem>>, vector<5120x1xf32>
    tpu.vector_store %arg9[%swap3A, %swap3A_32], %add3A_31 {strides = array<i32>} : memref<5120x1xf32, #tpu.memory_space<vmem>>, vector<5120x1xf32>,
    return
  }
  func.func @transform_0(%arg0: i32) -> (i32, i32) {
    %c0_i32 = arith.constant 0 : i32
    %c0_i32_0 = arith.constant 0 : i32
    return %arg0, %c0_i32 : i32, i32
  }
  func.func @transform_1(%arg0: i32) -> (i32, i32) {
    %add3A = arith.constant 2 : i32
    %add3A_0 = arith.addi %arg0, %add3A : i32
    %c0_i32 = arith.constant 0 : i32
    %c0_i32_1 = arith.constant 0 : i32
    return %add3A_0, %c0_i32 : i32, i32
  }
  func.func @transform_2(%arg0: i32) -> (i32, i32) {
    %c0_i32 = arith.constant 0 : i32
    %c0_i32_0 = arith.constant 0 : i32
    return %arg0, %c0_i32 : i32, i32
  }
  func.func @transform_3(%arg0: i32) -> (i32, i32) {
    %c0_i32 = arith.constant 0 : i32
    %c0_i32_0 = arith.constant 0 : i32
    return %arg0, %c0_i32 : i32, i32
  }
  func.func @transform_4(%arg0: i32) -> (i32, i32) {
    %c0_i32 = arith.constant 0 : i32
    %c0_i32_0 = arith.constant 0 : i32
    return %arg0, %c0_i32 : i32, i32
  }
  func.func @transform_5(%arg0: i32) -> (i32, i32) {
    %c0_i32 = arith.constant 0 : i32
    %c0_i32_0 = arith.constant 0 : i32
    %c0_i32_1 = arith.constant 0 : i32
    return %c0_i32, %c0_i32_0 : i32, i32
  }
  func.func @transform_6(%arg0: i32) -> (i32, i32) {
    %c0_i32 = arith.constant 0 : i32
    %c0_i32_0 = arith.constant 0 : i32
    %c0_i32_1 = arith.constant 0 : i32
    return %c0_i32, %c0_i32_0 : i32, i32
  }
  func.func @transform_7(%arg0: i32) -> (i32, i32) {
    %c0_i32 = arith.constant 0 : i32
    %c0_i32_0 = arith.constant 0 : i32
    %c0_i32_1 = arith.constant 0 : i32
    return %c0_i32, %c0_i32_0 : i32, i32
  }
  func.func @transform_8(%arg0: i32) -> (i32, i32) {
    %c0_i32 = arith.constant 0 : i32
    %c0_i32_0 = arith.constant 0 : i32
    return %arg0, %c0_i32 : i32, i32
  }
}

</mosaic_0001>

<sc_bundles>
// kernel: kernel.11.cloned.1.call-start
scs
__scs_entry_jumppad:
0x0: {  	(pc) =	sbr.rel $0x88, $3  }
0x1: {  	(tag) =	ssettag $0x0;
	lr =	simm.s32 $0x1  }
0x2: {  	[smem:$0x3F99] =	sst lr;
	_ =	strace $0xD0000000  }
0x3: {  	_ = 	snop  }
0x4: {  	_ = 	snop  }
0x5: {  	_ = 	snop  }
0x6: {  	_ = 	snop  }
0x7: {  	_ = 	snop  }
__scs_overlays_trampoline_lowered:
0x8: {  	[smem:$0x3FA8] =	sst s0  }
0x9: {  	[smem:$0x3FA9] =	sst s1  }
0xa: {  	[smem:$0x3FAA] =	sst s2  }
0xb: {  	[smem:$0x3FAB] =	sst s3  }
0xc: {  	[smem:$0x3FAC] =	sst s4  }
0xd: {  	[smem:$0x3FAD] =	sst s5  }
0xe: {  	[smem:$0x3FAE] =	sst s6  }
0xf: {  	[smem:$0x3FAF] =	sst s7  }
0x10: {  	[smem:$0x3FB0] =	sst s8  }
0x11: {  	[smem:$0x3FB1] =	sst s9;
	s0 =	simm.s32 @!p0 $0x0  }
0x12: {  	s1 =	sld [smem:$0x3F97];
	s0 =	simm.s32 @p0 $0x1  }
0x13: {  	[smem:$0x3FB2] =	sst s0;
	s0 =	simm.s32 @!p1 $0x0  }
0x14: {  	s2 =	sld [smem:$0x3F96];
	s0 =	simm.s32 @p1 $0x1  }
0x15: {  	[smem:$0x3FB3] =	sst s0;
	s0 =	simm.s32 @!p2 $0x0  }
0x16: {  	s3 =	sld [smem:$0x3FDB];
	s0 =	simm.s32 @p2 $0x1  }
0x17: {  	s4 =	simm.s32 $0x1BF5;
	[smem:$0x3FB5] =	sst s0  }
0x18: {  	s0 =	sld [smem:$0x3F98];
	_ =	swait.ge [sflag:s4], $0x0  }
0x19: {  	s7 =	sld [smem:$0x3F99]  }
0x1a: {  	s8 =	sadd.s32 $0xFFFFE003, lr  }
0x1b: {  	s9 =	sadd.s32 $0xFFFFFEF7, lr;
	s5 =	simm.s32 $0xFFFFFFFF;
	p2 =	slt.u32 s8, $0xFFFFF086  }
0x1c: {  	p1 =	slt.u32 s9, $0xF7A;
	s5 =	simm.s32 @!p2 $0x0  }
0x1d: {  	s5 =	simm.s32 @p1 $0x1;
	p0 =	seq.s32 s7, s2  }
0x1e: {  	s7 =	smul.u32 @!p0 $0xF7A, s2;
	p2 =	seq.s32 @!p0 s5, $0x0  }
0x1f: {  	s9 =	smul.u32 $0xF7A, s1;
	s8 =	simm.s32 @!p0 $0x1BF5;
	p2 =	por !p2, p0  }
0x20: {  	[sflag:s8] =	ssyncset.s32 @!p0 $0xFFFFF086;
	s6 =	sadd.s32 @!p0 s3, s7;
	s7 =	simm.s32 @!p0 $0x108  }
0x21: {  	s3 =	sadd.s32 s3, s9;
	s6 =	sadd.s32 @!p0 $0x88, s6;
	s7 =	simm.s32 @p2 $0x1082  }
0x22: {  	[simem:s7], [sflag:s8] =	dma.local @!p0 [hbm:s6], $0xF7A  }
0x23: {  	s9 =	sor.u32 $0xD0000000, s2;
	s6 =	simm.s32 $0x108;
	_ =	swait.ge @!p0 [sflag:s8], $0x0  }
0x24: {  	s3 =	sadd.s32 $0x88, s3;
	s6 =	simm.s32 @!p1 $0x1082;
	[sflag:s4] =	ssyncset.s32 $0xFFFFF086  }
0x25: {  	[simem:s6], [sflag:s4] =	dma.local [hbm:s3], $0xF7A  }
0x26: {  	[smem:$0x3F99] =	sst s1;
	(tag) =	ssettag s2;
	_ =	strace s9  }
0x27: {  	s1 =	sld [smem:$0x3FA9]  }
0x28: {  	s2 =	sld [smem:$0x3FAA]  }
0x29: {  	s4 =	sld [smem:$0x3FAC]  }
0x2a: {  	p0 =	seq.s32 s5, $0x0;
	s5 =	sld [smem:$0x3FAD]  }
0x2b: {  	s6 =	sld [smem:$0x3FAE]  }
0x2c: {  	s7 =	sld [smem:$0x3FAF]  }
0x2d: {  	s3 =	simm.s32 $0x108;
	s8 =	sld [smem:$0x3FB0]  }
0x2e: {  	s3 =	simm.s32 @!p0 $0x1082;
	s9 =	sld [smem:$0x3FB1]  }
0x2f: {  	lr =	sadd.s32 s0, s3;
	s0 =	sld [smem:$0x3FA8]  }
0x30: {  	s3 =	sld [smem:$0x3FAB]  }
0x31: {  	[smem:$0x3FB4] =	sst s10  }
0x32: {  	s10 =	sld [smem:$0x3FB2];
	_ =	sdelay $0x3  }
0x33: {  	p0 =	seq.s32 s10, $0x1;
	s10 =	sld [smem:$0x3FB4];
	_ =	sdelay $0x3  }
0x34: {  	[smem:$0x3FB4] =	sst s10  }
0x35: {  	s10 =	sld [smem:$0x3FB3];
	_ =	sdelay $0x3  }
0x36: {  	p1 =	seq.s32 s10, $0x1;
	s10 =	sld [smem:$0x3FB4];
	_ =	sdelay $0x3  }
0x37: {  	[smem:$0x3FB4] =	sst s10  }
0x38: {  	s10 =	sld [smem:$0x3FB5]  }
0x39: {  	_ = 	snop;
	(pc) =	sbr.ind lr, $3  }
0x3a: {  	_ = 	snop  }
0x3b: {  	_ = 	snop  }
0x3c: {  	p2 =	seq.s32 s10, $0x1;
	s10 =	sld [smem:$0x3FB4]  }
0x3d: {  	_ =	shalt  }
0x3e: {  	_ =	shalt  }
0x3f: {  	_ =	shalt  }
0x40: {  	_ =	shalt  }
0x41: {  	_ =	shalt  }
0x42: {  	_ =	shalt  }
0x43: {  	_ =	shalt  }
0x44: {  	_ =	shalt  }
0x45: {  	_ =	shalt  }
0x46: {  	_ =	shalt  }
0x47: {  	_ =	shalt  }
0x48: {  	_ =	shalt  }
0x49: {  	_ =	shalt  }
0x4a: {  	_ =	shalt  }
0x4b: {  	_ =	shalt  }
0x4c: {  	_ =	shalt  }
0x4d: {  	_ =	shalt  }
0x4e: {  	_ =	shalt  }
0x4f: {  	_ =	shalt  }
0x50: {  	_ =	shalt  }
0x51: {  	_ =	shalt  }
0x52: {  	_ =	shalt  }
0x53: {  	_ =	shalt  }
0x54: {  	_ =	shalt  }
0x55: {  	_ =	shalt  }
0x56: {  	_ =	shalt  }
0x57: {  	_ =	shalt  }
0x58: {  	_ =	shalt  }
0x59: {  	_ =	shalt  }
0x5a: {  	_ =	shalt  }
0x5b: {  	_ =	shalt  }
0x5c: {  	_ =	shalt  }
0x5d: {  	_ =	shalt  }
0x5e: {  	_ =	shalt  }
0x5f: {  	_ =	shalt  }
0x60: {  	_ =	shalt  }
0x61: {  	_ =	shalt  }
0x62: {  	_ =	shalt  }
0x63: {  	_ =	shalt  }
0x64: {  	_ =	shalt  }
0x65: {  	_ =	shalt  }
0x66: {  	_ =	shalt  }
0x67: {  	_ =	shalt  }
0x68: {  	_ =	shalt  }
0x69: {  	_ =	shalt  }
0x6a: {  	_ =	shalt  }
0x6b: {  	_ =	shalt  }
0x6c: {  	_ =	shalt  }
0x6d: {  	_ =	shalt  }
0x6e: {  	_ =	shalt  }
0x6f: {  	_ =	shalt  }
0x70: {  	_ =	shalt  }
0x71: {  	_ =	shalt  }
0x72: {  	_ =	shalt  }
0x73: {  	_ =	shalt  }
0x74: {  	_ =	shalt  }
0x75: {  	_ =	shalt  }
0x76: {  	_ =	shalt  }
0x77: {  	_ =	shalt  }
0x78: {  	_ =	shalt  }
0x79: {  	_ =	shalt  }
0x7a: {  	_ =	shalt  }
0x7b: {  	_ =	shalt  }
0x7c: {  	_ =	shalt  }
0x7d: {  	_ =	shalt  }
0x7e: {  	_ =	shalt  }
0x7f: {  	_ =	shalt  }
0x80: {  	_ =	shalt  }
0x81: {  	_ =	shalt  }
0x82: {  	_ =	shalt  }
0x83: {  	_ =	shalt  }
0x84: {  	_ =	shalt  }
0x85: {  	_ =	shalt  }
0x86: {  	_ =	shalt  }
0x87: {  	_ =	shalt  }
.Lfunc_end0:
.L_simem_size_0:
called_computation.1_lowered:
.L_overlay_start_0:
0x88: {  	s2 =	sld [smem:$0x3FD9]  }
0x89: {  	s3 =	sld [smem:$0x3FFE];
	_ =	sdelay $0x1  }
0x8a: {  	s1 =	srdreg.scid  }
0x8b: {  	s0 =	sand.u32 $0x1, s1  }
0x8c: {  	s16 =	sshll.u32 s0, $0xA;
	s2 =	sadd.s32 s3, s2  }
0x8d: {  	s2 =	sadd.s32 s2, s16  }
0x8e: {  	[smem:$0x3FC0] =	sst s2  }
0x8f: {  	_ = 	snop  }
0x90: {  	(tm) =	ssettm $0x1  }
0x91: {  	s17 =	sld [smem:$0x3FFB];
	_ =	sdelay $0x3  }
0x92: {  	_ =	strace s17  }
0x93: {  	s2 =	sld [smem:$0x3FFC];
	_ =	sdelay $0x3  }
0x94: {  	_ =	strace s2  }
0x95: {  	s2 =	sld [smem:$0x3FFD];
	_ =	sdelay $0x3  }
0x96: {  	_ =	strace s2  }
0x97: {  	_ =	strace $0x8FFFFFFF  }
0x98: {  	s18 =	sld [smem:$0x3FDB];
	_ =	sdelay $0x1  }
0x99: {  	s19 =	simm.s32 $_scs_section_size  }
0x9a: {  	s4 =	simm.s32 $_size__tile_overlayer_lowered;
	s5 =	simm.s32 $_tile_overlayer_lowered  }
0x9b: {  	s22 =	simm.s32 $0x1BFF;
	s21 =	sshll.u32 s5, $0x1;
	s2 =	sadd.s32 s19, s18  }
0x9c: {  	s6 =	simm.s32 $0x0;
	s20 =	sshll.u32 s4, $0x1;
	s4 =	sadd.s32 s21, s2  }
0x9d: {  	[timem:s6], [sflag:s22] =	dma.local [hbm:s4], s20  }
0x9e: {  	_ =	swait.ge [sflag:s22], s20  }
0x9f: {  	s3 =	ssub.s32 $0x0, s20;
	[sflag:s22] =	ssyncset.done $0x0  }
0xa0: {  	[sflag:s22] =	ssyncadd.s32 s3;
	_ =	sdelay $0x1  }
0xa1: {  	s23 =	simm.s32 $0x1B8B  }
0xa2: {  	_ =	swait.ge [sflag:s23], $0x1  }
0xa3: {  	[sflag:s23] =	ssyncset.done $0x0  }
0xa4: {  	s25 =	simm.s32 $0x1B8E;
	s24 =	sld [smem:$0x3FFE];
	[sflag:s23] =	ssyncadd.s32 $0xFFFFFFFF  }
0xa5: {  	s26 =	simm.s32 $execute0_lowered;
	[smem:$0x3FD2] =	sst s25  }
0xa6: {  	s4 =	sshll.u32 s26, $0x1;
	_ =	strace $0x80000049;
	[dreg:$0x1] =	wrdreg $0xFFFFFFFF  }
0xa7: {  	s28 =	simm.s32 $_size_execute0_lowered;
	s2 =	sadd.s32 s2, s4;
	[dreg:$0x0] =	wrdreg $0x0  }
0xa8: {  	s4 =	sshll.u32 s28, $0x1;
	[dreg:$0x2] =	wrdreg s2  }
0xa9: {  	[dreg:$0x3] =	wrdreg s4  }
0xaa: {  	[dreg:$0x4] =	wrdreg $0xC0  }
0xab: {  	_ =	task [dreg:s6], $0x5FFFF  }
0xac: {  	[dreg:$0x1] =	wrdreg $0xFFFFFFFF  }
0xad: {  	[dreg:$0x0] =	wrdreg $0x60  }
0xae: {  	[dreg:$0x2] =	wrdreg s24  }
0xaf: {  	[dreg:$0x3] =	wrdreg $0xC0400  }
0xb0: {  	[dreg:$0x4] =	wrdreg $0x9  }
0xb1: {  	_ =	task.clear_ibuf [dreg:s6], $0x5FFFF;
	_ =	strace $0x90000049  }
0xb2: {  	s29 =	simm.s32 $0x9;
	_ =	strace $0x8000004B  }
0xb3: {  	_ =	swait.ge [sflag:s29], $0x1  }
0xb4: {  	[sflag:s29] =	ssyncadd.s32 $0xFFFFFFFF  }
0xb5: {  	_ =	strace $0x9000004B  }
0xb6: {  	_ =	sfence  }
0xb7: {  	s30 =	sld [smem:$0x0];
	_ =	sdelay $0x2  }
0xb8: {  	s31 =	sshll.u32 s1, $0xD;
	s1 =	sshrl.u32 s1, $0x2  }
0xb9: {  	s3 =	sand.u32 $0x4000, s31;
	s1 =	sadd.s32 s1, s30  }
0xba: {  	s0 =	sor.u32 s3, s0;
	s1 =	sshll.u32 s1, $0x11  }
0xbb: {  	s0 =	sor.u32 s1, s0  }
0xbc: {  	s0 =	sadd.s32 $0x8F2B, s0  }
0xbd: {  	[sflag:s0] =	ssyncadd.remote.s32 $0x1  }
0xbe: {  	_ =	sfence.sel $0xFFFF  }
0xbf: {  	[dreg:$0x0] =	wrdreg $0xFFFFFFFF;
	(pc) =	sbr.abs _section_cstart, $3  }
0xc0: {  	[dreg:$0x1] =	wrdreg $0xFFFFFFFF  }
0xc1: {  	_ =	task.clear_ibuf [dreg:s6], $0x2FFFF;
	_ =	strace $0x9FFFFFFF  }
0xc2: {  	(tm) =	ssettm $0x7FFFFFFF  }
0xc3: {  	_ =	shalt  }
tec
execute0_lowered:
.L_overlay_start_1:
0x0: {  	(tag) =	ssettag $0x1  }
0x1: {  	s6 =	rddreg [dreg:$0x0]  }
0x2: {  	s2 =	rddreg [dreg:$0x1]  }
0x3: {  	s0 =	rddreg [dreg:$0x2]  }
0x4: {  	s3 =	simm.s32 $0x0;
	s1 =	stileid.u32;
	s4 =	srdreg.scid  }
0x5: {  	s15 =	simm.s32 $0x3;
	s16 =	simm.s32 $0x4E20;
	s17 =	simm.s32 $0xB040  }
0x6: {  	s18 =	simm.s32 $0x50;
	s19 =	simm.s32 $0x9C40;
	s20 =	simm.s32 $0xA640  }
0x7: {  	s21 =	simm.s32 $0x1;
	s22 =	simm.s32 $0x2;
	s23 =	simm.s32 $0x9BA0  }
0x8: {  	s24 =	simm.s32 $0x9BF0;
	s25 =	simm.s32 $0x0;
	s7 =	smul.u32 $0x4E20, s1  }
0x9: {  	[smem:$0x7FF] =	sst s3;
	s9 =	sand.u32 $0x1, s4;
	s10 =	smul.u32 $0xA00, s1  }
0xa: {  	s4 =	sadd.s32 $0x70A00, s6;
	s5 =	sadd.s32 $0x66A00, s6;
	s12 =	smul.u32 $0x14000, s1  }
0xb: {  	_ =	strace $0x8000004A;
	s8 =	smul.u32 $0xA000, s9;
	s11 =	ssub.s32 $0x2, s9  }
0xc: {  	p0 =	seq.s32 s9, $0x1;
	s7 =	sshrl.u32 s7, $0x3;
	s30 =	sshrl.u32 s11, $0x1  }
.Ltmp0:
0xd: {  	s31 =	sshrl.u32 s12, $0x2;
	s8 =	sadd.s32 s10, s8;
	(pc) =	sbr.rel .LBB2_1-.Ltmp0, $4  }
0xe: {  	s7 =	sadd.s32 s7, s6;
	s10 =	ssub.s32 s11, s30;
	s13 =	sadd.s32 s8, s6  }
0xf: {  	s6 =	sadd.s32 $0x3000, s7;
	s7 =	sadd.s32 $0xCC40, s7;
	s8 =	sadd.s32 s31, s2  }
0x10: {  	s10 =	smax.u32 s10, $0x1;
	s9 =	sadd.s32 $0x7AA00, s13;
	s11 =	sadd.s32 $0x1000, s8  }
0x11: {  	v0 =	vimm.f32 $0.0e+00;
	s12 =	sadd.s32 $0x2000, s8;
	s13 =	sadd.s32 $0x3000, s8;
	s14 =	sadd.s32 $0x4000, s8  }
.LBB2_6:
0x12: {  	[tilespmem:s20], [sflag:$0x2] =	stream.indirect.gather [hbm4b:s4+s18], $0x20, s28, s18, $0xb8;
	[tilespmem:$0x11040] =	vst v63  }
.LBB2_10:
0x13: {  	_ =	swait.ge [sflag:s21], $0xA00  }
0x14: {  	[sflag:s21] =	ssyncset.done $0x0  }
0x15: {  	[sflag:s21] =	ssyncadd.s32 $0xFFFFF600  }
0x16: {  	[spmem:s2] =	stream.indirect.scatter.add.f32 [tilespmem:s19], [sflag:$0x3], $0x20, s23, s18, $0xb8;
	[tilespmem:$0x11040] =	vst v63  }
0x17: {  	_ =	swait.ge [sflag:s15], $0xA00  }
0x18: {  	[sflag:s15] =	ssyncset.done $0x0  }
0x19: {  	[sflag:s15] =	ssyncadd.s32 $0xFFFFF600  }
0x1a: {  	_ =	swait.ge [sflag:s22], $0xA00  }
0x1b: {  	[sflag:s22] =	ssyncset.done $0x0  }
0x1c: {  	[sflag:s22] =	ssyncadd.s32 $0xFFFFF600  }
0x1d: {  	[spmem:s2] =	stream.indirect.scatter.add.f32 [tilespmem:s20], [sflag:$0x3], $0x20, s24, s18, $0xb8;
	[tilespmem:$0x11040] =	vst v63  }
0x1e: {  	_ =	swait.ge [sflag:s15], $0xA00  }
0x1f: {  	s26 =	sshll.u32 s1, $0x6;
	s25 =	sadd.s32 $0x1, s25;
	[sflag:s15] =	ssyncset.done $0x0  }
0x20: {  	s28 =	sshrl.u32 s8, $0x3;
	p1 =	sne.s32 s25, s10;
	[sflag:s15] =	ssyncadd.s32 $0xFFFFF600  }
.Ltmp1:
0x21: {  	s26 =	sor.u32 $0x1C03, s26;
	[bflag:$0x0] =	sbarrier.arrive $0xFFFF;
	(pc) =	sbr.rel @!p1 .LBB2_11-.Ltmp1, $4  }
0x22: {  	[hbm:s9], [sflag:s26] =	dma.local [spmem:s28], $0xA00  }
0x23: {  	_ =	swait.ge [sflag:s15], $0xA00  }
0x24: {  	[sflag:s15] =	ssyncset.done $0x0  }
0x25: {  	[sflag:s15] =	ssyncadd.s32 $0xFFFFF600  }
.LBB2_1:
0x26: {  	[tilespmem:s3], [sflag:$0x3] =	stream.linear.gather [hbm4b:s6+s3], $0x4E20, $0x38;
	[tilespmem:$0x11040] =	vst v63  }
0x27: {  	_ =	swait.ge [sflag:s15], $0x4E20  }
0x28: {  	[sflag:s15] =	ssyncset.done $0x0  }
0x29: {  	[sflag:s15] =	ssyncadd.s32 $0xFFFFB1E0  }
0x2a: {  	[tilespmem:s16], [sflag:$0x3] =	stream.linear.gather [hbm4b:s7+s3], $0x4E20, $0x38;
	[tilespmem:$0x11040] =	vst v63  }
0x2b: {  	_ =	swait.ge [sflag:s15], $0x4E20  }
0x2c: {  	[sflag:s15] =	ssyncset.done $0x0  }
0x2d: {  	s26 =	simm.s32 $0x80;
	s28 =	simm.s32 $0x0;
	[sflag:s15] =	ssyncadd.s32 $0xFFFFB1E0  }
.LBB2_2:
0x2e: {  	p1 =	sne.s32 s26, $0x3F80;
	[tilespmem:s28+$0xB040] =	vst v0;
	s29 =	smov.u32 s26;
	s26 =	sadd.s32 $0x80, s26  }
.Ltmp2:
0x2f: {  	[tilespmem:s28+$0xB050] =	vst v0;
	(pc) =	sbr.rel @p1 .LBB2_2-.Ltmp2, $2  }
0x30: {  	_ =	sdelay $0x2  }
0x31: {  	s28 =	sshra.s32 s29, $0x2  }
0x32: {  	[tilespmem:s28+$0xB040] =	vst v0  }
0x33: {  	[tilespmem:s28+$0xB050] =	vst v0  }
0x34: {  	[spmem:s8] =	stream.linear.scatter [tilespmem:s17], [sflag:$0x3], $0x1000, $0x38;
	[tilespmem:$0x11040] =	vst v63  }
0x35: {  	_ =	swait.ge [sflag:s15], $0x1000  }
0x36: {  	[sflag:s15] =	ssyncset.done $0x0  }
0x37: {  	[sflag:s15] =	ssyncadd.s32 $0xFFFFF000  }
0x38: {  	[spmem:s11] =	stream.linear.scatter [tilespmem:s17], [sflag:$0x3], $0x1000, $0x38;
	[tilespmem:$0x11040] =	vst v63  }
0x39: {  	_ =	swait.ge [sflag:s15], $0x1000  }
0x3a: {  	[sflag:s15] =	ssyncset.done $0x0  }
0x3b: {  	[sflag:s15] =	ssyncadd.s32 $0xFFFFF000  }
0x3c: {  	[spmem:s12] =	stream.linear.scatter [tilespmem:s17], [sflag:$0x3], $0x1000, $0x38;
	[tilespmem:$0x11040] =	vst v63  }
0x3d: {  	_ =	swait.ge [sflag:s15], $0x1000  }
0x3e: {  	[sflag:s15] =	ssyncset.done $0x0  }
0x3f: {  	[sflag:s15] =	ssyncadd.s32 $0xFFFFF000  }
0x40: {  	[spmem:s13] =	stream.linear.scatter [tilespmem:s17], [sflag:$0x3], $0x1000, $0x38;
	[tilespmem:$0x11040] =	vst v63  }
0x41: {  	_ =	swait.ge [sflag:s15], $0x1000  }
0x42: {  	[sflag:s15] =	ssyncset.done $0x0  }
0x43: {  	[sflag:s15] =	ssyncadd.s32 $0xFFFFF000  }
0x44: {  	[spmem:s14] =	stream.linear.scatter [tilespmem:s17], [sflag:$0x3], $0x1000, $0x38;
	[tilespmem:$0x11040] =	vst v63  }
.Ltmp3:
0x45: {  	_ =	swait.ge [sflag:s15], $0x1000;
	(pc) =	sbr.rel @!p0 .LBB2_4-.Ltmp3, $4  }
0x46: {  	[sflag:s15] =	ssyncset.done $0x0  }
0x47: {  	[sflag:s15] =	ssyncadd.s32 $0xFFFFF000  }
0x48: {  	[bflag:$0x0] =	sbarrier.arrive $0xFFFF  }
0x49: {  	s26 =	simm.s32 $0x0  }
0x4a: {  	[tilespmem:s19], [sflag:$0x1] =	stream.indirect.gather [hbm4b:s5+s18], $0x20, s26, s18, $0xb8;
	[tilespmem:$0x11040] =	vst v63  }
0x4b: {  	_ = 	snop  }
0x4c: {  	[tilespmem:s20], [sflag:$0x2] =	stream.indirect.gather [hbm4b:s5+s18], $0x20, s18, s18, $0xb8;
	[tilespmem:$0x11040] =	vst v63  }
0x4d: {  	_ =	swait.ge [sflag:s21], $0xA00  }
0x4e: {  	[sflag:s21] =	ssyncset.done $0x0  }
0x4f: {  	s29 =	simm.s32 $0x4E20;
	[sflag:s21] =	ssyncadd.s32 $0xFFFFF600  }
0x50: {  	[spmem:s2] =	stream.indirect.scatter.add.f32 [tilespmem:s19], [sflag:$0x3], $0x20, s29, s18, $0xb8;
	[tilespmem:$0x11040] =	vst v63  }
0x51: {  	_ =	swait.ge [sflag:s15], $0xA00  }
0x52: {  	[sflag:s15] =	ssyncset.done $0x0  }
0x53: {  	s30 =	simm.s32 $0xA0;
	[sflag:s15] =	ssyncadd.s32 $0xFFFFF600  }
0x54: {  	[tilespmem:s19], [sflag:$0x1] =	stream.indirect.gather [hbm4b:s5+s18], $0x20, s30, s18, $0xb8;
	[tilespmem:$0x11040] =	vst v63  }
0x55: {  	_ =	swait.ge [sflag:s22], $0xA00  }
0x56: {  	[sflag:s22] =	ssyncset.done $0x0  }
0x57: {  	s31 =	simm.s32 $0x4E70;
	[sflag:s22] =	ssyncadd.s32 $0xFFFFF600  }
0x58: {  	[spmem:s2] =	stream.indirect.scatter.add.f32 [tilespmem:s20], [sflag:$0x3], $0x20, s31, s18, $0xb8;
	[tilespmem:$0x11040] =	vst v63  }
0x59: {  	_ =	swait.ge [sflag:s15], $0xA00  }
0x5a: {  	[sflag:s15] =	ssyncset.done $0x0  }
0x5b: {  	s26 =	simm.s32 $0x280;
	s28 =	simm.s32 $0xF0;
	[sflag:s15] =	ssyncadd.s32 $0xFFFFF600  }
.LBB2_8:
0x5c: {  	[tilespmem:s20], [sflag:$0x2] =	stream.indirect.gather [hbm4b:s5+s18], $0x20, s28, s18, $0xb8;
	[tilespmem:$0x11040] =	vst v63  }
0x5d: {  	s28 =	smov.u32 s26  }
0x5e: {  	p1 =	sne.s32 s26, $0x13380;
	s26 =	sadd.s32 $0x280, s26;
	_ =	swait.ge [sflag:s21], $0xA00  }
0x5f: {  	s28 =	sshra.s32 s28, $0x2;
	[sflag:s21] =	ssyncset.done $0x0  }
0x60: {  	s29 =	sadd.s32 $0x4E20, s28;
	[sflag:s21] =	ssyncadd.s32 $0xFFFFF600  }
0x61: {  	[spmem:s2] =	stream.indirect.scatter.add.f32 [tilespmem:s19], [sflag:$0x3], $0x20, s29, s18, $0xb8;
	[tilespmem:$0x11040] =	vst v63  }
0x62: {  	_ =	swait.ge [sflag:s15], $0xA00  }
0x63: {  	[sflag:s15] =	ssyncset.done $0x0  }
0x64: {  	s29 =	sadd.s32 $0xA0, s28;
	[sflag:s15] =	ssyncadd.s32 $0xFFFFF600  }
0x65: {  	[tilespmem:s19], [sflag:$0x1] =	stream.indirect.gather [hbm4b:s5+s18], $0x20, s29, s18, $0xb8;
	[tilespmem:$0x11040] =	vst v63  }
0x66: {  	_ =	swait.ge [sflag:s22], $0xA00  }
0x67: {  	[sflag:s22] =	ssyncset.done $0x0  }
.Ltmp4:
0x68: {  	s29 =	sadd.s32 $0x4E70, s28;
	[sflag:s22] =	ssyncadd.s32 $0xFFFFF600;
	(pc) =	sbr.rel @p1 .LBB2_8-.Ltmp4, $4  }
0x69: {  	[spmem:s2] =	stream.indirect.scatter.add.f32 [tilespmem:s20], [sflag:$0x3], $0x20, s29, s18, $0xb8;
	[tilespmem:$0x11040] =	vst v63  }
0x6a: {  	_ =	swait.ge [sflag:s15], $0xA00  }
0x6b: {  	[sflag:s15] =	ssyncset.done $0x0  }
0x6c: {  	s28 =	sadd.s32 $0xF0, s28;
	[sflag:s15] =	ssyncadd.s32 $0xFFFFF600  }
.Ltmp5:
0x6d: {  	(pc) =	sbr.rel .LBB2_10-.Ltmp5, $2  }
0x6e: {  	_ =	sdelay $0x2  }
0x6f: {  	[tilespmem:s20], [sflag:$0x2] =	stream.indirect.gather [hbm4b:s5+s18], $0x20, s28, s18, $0xb8;
	[tilespmem:$0x11040] =	vst v63  }
.LBB2_4:
0x70: {  	[tilespmem:s19], [sflag:$0x1] =	stream.indirect.gather [hbm4b:s4+s18], $0x20, s26, s18, $0xb8;
	[tilespmem:$0x11040] =	vst v63  }
0x71: {  	_ = 	snop  }
0x72: {  	[tilespmem:s20], [sflag:$0x2] =	stream.indirect.gather [hbm4b:s4+s18], $0x20, s18, s18, $0xb8;
	[tilespmem:$0x11040] =	vst v63  }
0x73: {  	_ =	swait.ge [sflag:s21], $0xA00  }
0x74: {  	[sflag:s21] =	ssyncset.done $0x0  }
0x75: {  	s29 =	simm.s32 $0x4E20;
	[sflag:s21] =	ssyncadd.s32 $0xFFFFF600  }
0x76: {  	[spmem:s2] =	stream.indirect.scatter.add.f32 [tilespmem:s19], [sflag:$0x3], $0x20, s29, s18, $0xb8;
	[tilespmem:$0x11040] =	vst v63  }
0x77: {  	_ =	swait.ge [sflag:s15], $0xA00  }
0x78: {  	[sflag:s15] =	ssyncset.done $0x0  }
0x79: {  	s30 =	simm.s32 $0xA0;
	[sflag:s15] =	ssyncadd.s32 $0xFFFFF600  }
0x7a: {  	[tilespmem:s19], [sflag:$0x1] =	stream.indirect.gather [hbm4b:s4+s18], $0x20, s30, s18, $0xb8;
	[tilespmem:$0x11040] =	vst v63  }
0x7b: {  	_ =	swait.ge [sflag:s22], $0xA00  }
0x7c: {  	[sflag:s22] =	ssyncset.done $0x0  }
0x7d: {  	s31 =	simm.s32 $0x4E70;
	[sflag:s22] =	ssyncadd.s32 $0xFFFFF600  }
0x7e: {  	[spmem:s2] =	stream.indirect.scatter.add.f32 [tilespmem:s20], [sflag:$0x3], $0x20, s31, s18, $0xb8;
	[tilespmem:$0x11040] =	vst v63  }
0x7f: {  	_ =	swait.ge [sflag:s15], $0xA00  }
0x80: {  	[sflag:s15] =	ssyncset.done $0x0  }
0x81: {  	s26 =	simm.s32 $0x280;
	s28 =	simm.s32 $0xF0;
	[sflag:s15] =	ssyncadd.s32 $0xFFFFF600  }
.LBB2_5:
0x82: {  	[tilespmem:s20], [sflag:$0x2] =	stream.indirect.gather [hbm4b:s4+s18], $0x20, s28, s18, $0xb8;
	[tilespmem:$0x11040] =	vst v63  }
0x83: {  	s28 =	smov.u32 s26  }
0x84: {  	p1 =	seq.s32 s26, $0x13380;
	s26 =	sadd.s32 $0x280, s26;
	_ =	swait.ge [sflag:s21], $0xA00  }
0x85: {  	s28 =	sshra.s32 s28, $0x2;
	[sflag:s21] =	ssyncset.done $0x0  }
0x86: {  	s29 =	sadd.s32 $0x4E20, s28;
	[sflag:s21] =	ssyncadd.s32 $0xFFFFF600  }
0x87: {  	[spmem:s2] =	stream.indirect.scatter.add.f32 [tilespmem:s19], [sflag:$0x3], $0x20, s29, s18, $0xb8;
	[tilespmem:$0x11040] =	vst v63  }
0x88: {  	_ =	swait.ge [sflag:s15], $0xA00  }
0x89: {  	[sflag:s15] =	ssyncset.done $0x0  }
0x8a: {  	s29 =	sadd.s32 $0xA0, s28;
	[sflag:s15] =	ssyncadd.s32 $0xFFFFF600  }
0x8b: {  	[tilespmem:s19], [sflag:$0x1] =	stream.indirect.gather [hbm4b:s4+s18], $0x20, s29, s18, $0xb8;
	[tilespmem:$0x11040] =	vst v63  }
0x8c: {  	_ =	swait.ge [sflag:s22], $0xA00  }
0x8d: {  	[sflag:s22] =	ssyncset.done $0x0  }
.Ltmp6:
0x8e: {  	s29 =	sadd.s32 $0x4E70, s28;
	[sflag:s22] =	ssyncadd.s32 $0xFFFFF600;
	(pc) =	sbr.rel @!p1 .LBB2_5-.Ltmp6, $4  }
0x8f: {  	[spmem:s2] =	stream.indirect.scatter.add.f32 [tilespmem:s20], [sflag:$0x3], $0x20, s29, s18, $0xb8;
	[tilespmem:$0x11040] =	vst v63  }
0x90: {  	_ =	swait.ge [sflag:s15], $0xA00  }
0x91: {  	[sflag:s15] =	ssyncset.done $0x0  }
0x92: {  	s28 =	sadd.s32 $0xF0, s28;
	[sflag:s15] =	ssyncadd.s32 $0xFFFFF600  }
.Ltmp7:
0x93: {  	_ = 	snop;
	(pc) =	sbr.rel .LBB2_6-.Ltmp7, $1  }
0x94: {  	_ =	sdelay $0x3  }
.LBB2_11:
0x95: {  	_ =	sfence.sel $0x180000  }
0x96: {  	[bflag:$0x0] =	sbarrier.arrive $0xFFFF  }
0x97: {  	p0 =	sne.s32 s1, $0x0;
	_ =	strace $0x9000004A  }
0x98: {  	s0 =	sadd.s32 @!p0 $0x100000, s0;
	[bflag:$0x2] =	sbarrier.arrive $0xFFFF  }
0x99: {  	[sflag:s0] =	ssyncadd.tile.s32 @!p0 $0x1;
	_ =	shalt  }
.Lfunc_end2:
_tile_overlayer_lowered:
.L_overlay_start_2:
0x9a: {  	(tag) =	ssettag $0x2  }
0x9b: {  	s0 =	rddreg [dreg:$0x0];
	s2 =	stileid.u32  }
0x9c: {  	s1 =	rddreg [dreg:$0x1];
	p0 =	sne.s32 s2, $0x0  }
0x9d: {  	s3 =	rddreg [dreg:$0x2];
	[bflag:$0x3] =	sbarrier.arrive $0xFFFF;
	s2 =	simm.s32 @!p0 $0x1C03  }
0x9e: {  	[timem:s3], [sflag:s2] =	dma.local @!p0 [hbm:s0], s1  }
0x9f: {  	s0 =	simm.s32 @!p0 $0x3  }
0xa0: {  	_ =	swait.ge @!p0 [sflag:s0], s1  }
0xa1: {  	s1 =	ssub.s32 @!p0 $0x0, s1;
	[sflag:s0] =	ssyncset.done @!p0 $0x0  }
0xa2: {  	[sflag:s0] =	ssyncadd.s32 @!p0 s1  }
0xa3: {  	[bflag:$0x3] =	sbarrier.arrive $0xFFFF  }
0xa4: {  	_ =	shalt  }

// kernel: kernel.14.cloned.1.call-start
scs
__scs_entry_jumppad:
0x0: {  	(pc) =	sbr.rel $0x88, $3  }
0x1: {  	(tag) =	ssettag $0x0;
	lr =	simm.s32 $0x1  }
0x2: {  	[smem:$0x3F99] =	sst lr;
	_ =	strace $0xD0000000  }
0x3: {  	_ = 	snop  }
0x4: {  	_ = 	snop  }
0x5: {  	_ = 	snop  }
0x6: {  	_ = 	snop  }
0x7: {  	_ = 	snop  }
__scs_overlays_trampoline_lowered:
0x8: {  	[smem:$0x3FA8] =	sst s0  }
0x9: {  	[smem:$0x3FA9] =	sst s1  }
0xa: {  	[smem:$0x3FAA] =	sst s2  }
0xb: {  	[smem:$0x3FAB] =	sst s3  }
0xc: {  	[smem:$0x3FAC] =	sst s4  }
0xd: {  	[smem:$0x3FAD] =	sst s5  }
0xe: {  	[smem:$0x3FAE] =	sst s6  }
0xf: {  	[smem:$0x3FAF] =	sst s7  }
0x10: {  	[smem:$0x3FB0] =	sst s8  }
0x11: {  	[smem:$0x3FB1] =	sst s9;
	s0 =	simm.s32 @!p0 $0x0  }
0x12: {  	s1 =	sld [smem:$0x3F97];
	s0 =	simm.s32 @p0 $0x1  }
0x13: {  	[smem:$0x3FB2] =	sst s0;
	s0 =	simm.s32 @!p1 $0x0  }
0x14: {  	s2 =	sld [smem:$0x3F96];
	s0 =	simm.s32 @p1 $0x1  }
0x15: {  	[smem:$0x3FB3] =	sst s0;
	s0 =	simm.s32 @!p2 $0x0  }
0x16: {  	s3 =	sld [smem:$0x3FDB];
	s0 =	simm.s32 @p2 $0x1  }
0x17: {  	s4 =	simm.s32 $0x1BF5;
	[smem:$0x3FB5] =	sst s0  }
0x18: {  	s0 =	sld [smem:$0x3F98];
	_ =	swait.ge [sflag:s4], $0x0  }
0x19: {  	s7 =	sld [smem:$0x3F99]  }
0x1a: {  	s8 =	sadd.s32 $0xFFFFE003, lr  }
0x1b: {  	s9 =	sadd.s32 $0xFFFFFEF7, lr;
	s5 =	simm.s32 $0xFFFFFFFF;
	p2 =	slt.u32 s8, $0xFFFFF086  }
0x1c: {  	p1 =	slt.u32 s9, $0xF7A;
	s5 =	simm.s32 @!p2 $0x0  }
0x1d: {  	s5 =	simm.s32 @p1 $0x1;
	p0 =	seq.s32 s7, s2  }
0x1e: {  	s7 =	smul.u32 @!p0 $0xF7A, s2;
	p2 =	seq.s32 @!p0 s5, $0x0  }
0x1f: {  	s9 =	smul.u32 $0xF7A, s1;
	s8 =	simm.s32 @!p0 $0x1BF5;
	p2 =	por !p2, p0  }
0x20: {  	[sflag:s8] =	ssyncset.s32 @!p0 $0xFFFFF086;
	s6 =	sadd.s32 @!p0 s3, s7;
	s7 =	simm.s32 @!p0 $0x108  }
0x21: {  	s3 =	sadd.s32 s3, s9;
	s6 =	sadd.s32 @!p0 $0x88, s6;
	s7 =	simm.s32 @p2 $0x1082  }
0x22: {  	[simem:s7], [sflag:s8] =	dma.local @!p0 [hbm:s6], $0xF7A  }
0x23: {  	s9 =	sor.u32 $0xD0000000, s2;
	s6 =	simm.s32 $0x108;
	_ =	swait.ge @!p0 [sflag:s8], $0x0  }
0x24: {  	s3 =	sadd.s32 $0x88, s3;
	s6 =	simm.s32 @!p1 $0x1082;
	[sflag:s4] =	ssyncset.s32 $0xFFFFF086  }
0x25: {  	[simem:s6], [sflag:s4] =	dma.local [hbm:s3], $0xF7A  }
0x26: {  	[smem:$0x3F99] =	sst s1;
	(tag) =	ssettag s2;
	_ =	strace s9  }
0x27: {  	s1 =	sld [smem:$0x3FA9]  }
0x28: {  	s2 =	sld [smem:$0x3FAA]  }
0x29: {  	s4 =	sld [smem:$0x3FAC]  }
0x2a: {  	p0 =	seq.s32 s5, $0x0;
	s5 =	sld [smem:$0x3FAD]  }
0x2b: {  	s6 =	sld [smem:$0x3FAE]  }
0x2c: {  	s7 =	sld [smem:$0x3FAF]  }
0x2d: {  	s3 =	simm.s32 $0x108;
	s8 =	sld [smem:$0x3FB0]  }
0x2e: {  	s3 =	simm.s32 @!p0 $0x1082;
	s9 =	sld [smem:$0x3FB1]  }
0x2f: {  	lr =	sadd.s32 s0, s3;
	s0 =	sld [smem:$0x3FA8]  }
0x30: {  	s3 =	sld [smem:$0x3FAB]  }
0x31: {  	[smem:$0x3FB4] =	sst s10  }
0x32: {  	s10 =	sld [smem:$0x3FB2];
	_ =	sdelay $0x3  }
0x33: {  	p0 =	seq.s32 s10, $0x1;
	s10 =	sld [smem:$0x3FB4];
	_ =	sdelay $0x3  }
0x34: {  	[smem:$0x3FB4] =	sst s10  }
0x35: {  	s10 =	sld [smem:$0x3FB3];
	_ =	sdelay $0x3  }
0x36: {  	p1 =	seq.s32 s10, $0x1;
	s10 =	sld [smem:$0x3FB4];
	_ =	sdelay $0x3  }
0x37: {  	[smem:$0x3FB4] =	sst s10  }
0x38: {  	s10 =	sld [smem:$0x3FB5]  }
0x39: {  	_ = 	snop;
	(pc) =	sbr.ind lr, $3  }
0x3a: {  	_ = 	snop  }
0x3b: {  	_ = 	snop  }
0x3c: {  	p2 =	seq.s32 s10, $0x1;
	s10 =	sld [smem:$0x3FB4]  }
0x3d: {  	_ =	shalt  }
0x3e: {  	_ =	shalt  }
0x3f: {  	_ =	shalt  }
0x40: {  	_ =	shalt  }
0x41: {  	_ =	shalt  }
0x42: {  	_ =	shalt  }
0x43: {  	_ =	shalt  }
0x44: {  	_ =	shalt  }
0x45: {  	_ =	shalt  }
0x46: {  	_ =	shalt  }
0x47: {  	_ =	shalt  }
0x48: {  	_ =	shalt  }
0x49: {  	_ =	shalt  }
0x4a: {  	_ =	shalt  }
0x4b: {  	_ =	shalt  }
0x4c: {  	_ =	shalt  }
0x4d: {  	_ =	shalt  }
0x4e: {  	_ =	shalt  }
0x4f: {  	_ =	shalt  }
0x50: {  	_ =	shalt  }
0x51: {  	_ =	shalt  }
0x52: {  	_ =	shalt  }
0x53: {  	_ =	shalt  }
0x54: {  	_ =	shalt  }
0x55: {  	_ =	shalt  }
0x56: {  	_ =	shalt  }
0x57: {  	_ =	shalt  }
0x58: {  	_ =	shalt  }
0x59: {  	_ =	shalt  }
0x5a: {  	_ =	shalt  }
0x5b: {  	_ =	shalt  }
0x5c: {  	_ =	shalt  }
0x5d: {  	_ =	shalt  }
0x5e: {  	_ =	shalt  }
0x5f: {  	_ =	shalt  }
0x60: {  	_ =	shalt  }
0x61: {  	_ =	shalt  }
0x62: {  	_ =	shalt  }
0x63: {  	_ =	shalt  }
0x64: {  	_ =	shalt  }
0x65: {  	_ =	shalt  }
0x66: {  	_ =	shalt  }
0x67: {  	_ =	shalt  }
0x68: {  	_ =	shalt  }
0x69: {  	_ =	shalt  }
0x6a: {  	_ =	shalt  }
0x6b: {  	_ =	shalt  }
0x6c: {  	_ =	shalt  }
0x6d: {  	_ =	shalt  }
0x6e: {  	_ =	shalt  }
0x6f: {  	_ =	shalt  }
0x70: {  	_ =	shalt  }
0x71: {  	_ =	shalt  }
0x72: {  	_ =	shalt  }
0x73: {  	_ =	shalt  }
0x74: {  	_ =	shalt  }
0x75: {  	_ =	shalt  }
0x76: {  	_ =	shalt  }
0x77: {  	_ =	shalt  }
0x78: {  	_ =	shalt  }
0x79: {  	_ =	shalt  }
0x7a: {  	_ =	shalt  }
0x7b: {  	_ =	shalt  }
0x7c: {  	_ =	shalt  }
0x7d: {  	_ =	shalt  }
0x7e: {  	_ =	shalt  }
0x7f: {  	_ =	shalt  }
0x80: {  	_ =	shalt  }
0x81: {  	_ =	shalt  }
0x82: {  	_ =	shalt  }
0x83: {  	_ =	shalt  }
0x84: {  	_ =	shalt  }
0x85: {  	_ =	shalt  }
0x86: {  	_ =	shalt  }
0x87: {  	_ =	shalt  }
.Lfunc_end0:
.L_simem_size_0:
called_computation.2_lowered:
.L_overlay_start_0:
0x88: {  	s2 =	sld [smem:$0x3FD9]  }
0x89: {  	s3 =	sld [smem:$0x3FFE];
	_ =	sdelay $0x1  }
0x8a: {  	s1 =	srdreg.scid  }
0x8b: {  	s0 =	sand.u32 $0x1, s1  }
0x8c: {  	s16 =	sshll.u32 s0, $0xA;
	s2 =	sadd.s32 s3, s2  }
0x8d: {  	s2 =	sadd.s32 s2, s16  }
0x8e: {  	[smem:$0x3FC0] =	sst s2  }
0x8f: {  	_ = 	snop  }
0x90: {  	(tm) =	ssettm $0x1  }
0x91: {  	s17 =	sld [smem:$0x3FFB];
	_ =	sdelay $0x3  }
0x92: {  	_ =	strace s17  }
0x93: {  	s2 =	sld [smem:$0x3FFC];
	_ =	sdelay $0x3  }
0x94: {  	_ =	strace s2  }
0x95: {  	s2 =	sld [smem:$0x3FFD];
	_ =	sdelay $0x3  }
0x96: {  	_ =	strace s2  }
0x97: {  	_ =	strace $0x8FFFFFFF  }
0x98: {  	s18 =	sld [smem:$0x3FDB];
	_ =	sdelay $0x1  }
0x99: {  	s19 =	simm.s32 $_scs_section_size  }
0x9a: {  	s4 =	simm.s32 $_size__tile_overlayer_lowered;
	s5 =	simm.s32 $_tile_overlayer_lowered  }
0x9b: {  	s22 =	simm.s32 $0x1BFF;
	s21 =	sshll.u32 s5, $0x1;
	s2 =	sadd.s32 s19, s18  }
0x9c: {  	s6 =	simm.s32 $0x0;
	s20 =	sshll.u32 s4, $0x1;
	s4 =	sadd.s32 s21, s2  }
0x9d: {  	[timem:s6], [sflag:s22] =	dma.local [hbm:s4], s20  }
0x9e: {  	_ =	swait.ge [sflag:s22], s20  }
0x9f: {  	s3 =	ssub.s32 $0x0, s20;
	[sflag:s22] =	ssyncset.done $0x0  }
0xa0: {  	[sflag:s22] =	ssyncadd.s32 s3;
	_ =	sdelay $0x1  }
0xa1: {  	s23 =	simm.s32 $0x1B8B  }
0xa2: {  	_ =	swait.ge [sflag:s23], $0x1  }
0xa3: {  	[sflag:s23] =	ssyncset.done $0x0  }
0xa4: {  	s25 =	simm.s32 $0x1B8E;
	s24 =	sld [smem:$0x3FFE];
	[sflag:s23] =	ssyncadd.s32 $0xFFFFFFFF  }
0xa5: {  	s26 =	simm.s32 $execute0_lowered;
	[smem:$0x3FD2] =	sst s25  }
0xa6: {  	s4 =	sshll.u32 s26, $0x1;
	_ =	strace $0x8000004C;
	[dreg:$0x1] =	wrdreg $0xFFFFFFFF  }
0xa7: {  	s28 =	simm.s32 $_size_execute0_lowered;
	s2 =	sadd.s32 s2, s4;
	[dreg:$0x0] =	wrdreg $0x0  }
0xa8: {  	s4 =	sshll.u32 s28, $0x1;
	[dreg:$0x2] =	wrdreg s2  }
0xa9: {  	[dreg:$0x3] =	wrdreg s4  }
0xaa: {  	[dreg:$0x4] =	wrdreg $0xC0  }
0xab: {  	_ =	task [dreg:s6], $0x5FFFF  }
0xac: {  	[dreg:$0x1] =	wrdreg $0xFFFFFFFF  }
0xad: {  	[dreg:$0x0] =	wrdreg $0x60  }
0xae: {  	[dreg:$0x2] =	wrdreg s24  }
0xaf: {  	[dreg:$0x3] =	wrdreg $0xE4400  }
0xb0: {  	[dreg:$0x4] =	wrdreg $0x9  }
0xb1: {  	_ =	task.clear_ibuf [dreg:s6], $0x5FFFF;
	_ =	strace $0x9000004C  }
0xb2: {  	s29 =	simm.s32 $0x9;
	_ =	strace $0x8000004E  }
0xb3: {  	_ =	swait.ge [sflag:s29], $0x1  }
0xb4: {  	[sflag:s29] =	ssyncadd.s32 $0xFFFFFFFF  }
0xb5: {  	_ =	strace $0x9000004E  }
0xb6: {  	_ =	sfence  }
0xb7: {  	s30 =	sld [smem:$0x0];
	_ =	sdelay $0x2  }
0xb8: {  	s31 =	sshll.u32 s1, $0xD;
	s1 =	sshrl.u32 s1, $0x2  }
0xb9: {  	s3 =	sand.u32 $0x4000, s31;
	s1 =	sadd.s32 s1, s30  }
0xba: {  	s0 =	sor.u32 s3, s0;
	s1 =	sshll.u32 s1, $0x11  }
0xbb: {  	s0 =	sor.u32 s1, s0  }
0xbc: {  	s0 =	sadd.s32 $0x8F2B, s0  }
0xbd: {  	[sflag:s0] =	ssyncadd.remote.s32 $0x1  }
0xbe: {  	_ =	sfence.sel $0xFFFF  }
0xbf: {  	[dreg:$0x0] =	wrdreg $0xFFFFFFFF;
	(pc) =	sbr.abs _section_cstart, $3  }
0xc0: {  	[dreg:$0x1] =	wrdreg $0xFFFFFFFF  }
0xc1: {  	_ =	task.clear_ibuf [dreg:s6], $0x2FFFF;
	_ =	strace $0x9FFFFFFF  }
0xc2: {  	(tm) =	ssettm $0x7FFFFFFF  }
0xc3: {  	_ =	shalt  }
tec
execute0_lowered:
.L_overlay_start_1:
0x0: {  	(tag) =	ssettag $0x1  }
0x1: {  	s6 =	rddreg [dreg:$0x0]  }
0x2: {  	s2 =	rddreg [dreg:$0x1]  }
0x3: {  	s0 =	rddreg [dreg:$0x2]  }
0x4: {  	s3 =	simm.s32 $0x0;
	s1 =	stileid.u32;
	s4 =	srdreg.scid  }
0x5: {  	s15 =	simm.s32 $0x3;
	s16 =	simm.s32 $0x4E20;
	s17 =	simm.s32 $0xC440  }
0x6: {  	s18 =	simm.s32 $0x50;
	s19 =	simm.s32 $0x9C40;
	s20 =	simm.s32 $0xB040  }
0x7: {  	s21 =	simm.s32 $0x1;
	s22 =	simm.s32 $0x2;
	s23 =	simm.s32 $0x9BA0  }
0x8: {  	s24 =	simm.s32 $0x9BF0;
	s25 =	simm.s32 $0x0;
	s7 =	smul.u32 $0x4E20, s1  }
0x9: {  	[smem:$0x7FF] =	sst s3;
	s9 =	sand.u32 $0x1, s4;
	s10 =	smul.u32 $0x1400, s1  }
0xa: {  	s4 =	sadd.s32 $0x52A00, s6;
	s5 =	sadd.s32 $0x3EA00, s6;
	s12 =	smul.u32 $0x28000, s1  }
0xb: {  	_ =	strace $0x8000004D;
	s8 =	smul.u32 $0x14000, s9;
	s11 =	ssub.s32 $0x2, s9  }
0xc: {  	p0 =	seq.s32 s9, $0x1;
	s7 =	sshrl.u32 s7, $0x3;
	s30 =	sshrl.u32 s11, $0x1  }
.Ltmp0:
0xd: {  	s31 =	sshrl.u32 s12, $0x2;
	s8 =	sadd.s32 s10, s8;
	(pc) =	sbr.rel .LBB2_1-.Ltmp0, $4  }
0xe: {  	s7 =	sadd.s32 s7, s6;
	s10 =	ssub.s32 s11, s30;
	s13 =	sadd.s32 s8, s6  }
0xf: {  	s6 =	sadd.s32 $0x3000, s7;
	s7 =	sadd.s32 $0xCC40, s7;
	s8 =	sadd.s32 s31, s2  }
0x10: {  	s10 =	smax.u32 s10, $0x1;
	s9 =	sadd.s32 $0x66A00, s13;
	s11 =	sadd.s32 $0x2000, s8  }
0x11: {  	v0 =	vimm.f32 $0.0e+00;
	s12 =	sadd.s32 $0x4000, s8;
	s13 =	sadd.s32 $0x6000, s8;
	s14 =	sadd.s32 $0x8000, s8  }
.LBB2_6:
0x12: {  	[tilespmem:s20], [sflag:$0x2] =	stream.indirect.gather [hbm4b:s4+s18], $0x40, s28, s18, $0xb8;
	[tilespmem:$0x18440] =	vst v63  }
.LBB2_10:
0x13: {  	_ =	swait.ge [sflag:s21], $0x1400  }
0x14: {  	[sflag:s21] =	ssyncset.done $0x0  }
0x15: {  	[sflag:s21] =	ssyncadd.s32 $0xFFFFEC00  }
0x16: {  	[spmem:s2] =	stream.indirect.scatter.add.f32 [tilespmem:s19], [sflag:$0x3], $0x40, s23, s18, $0xb8;
	[tilespmem:$0x18440] =	vst v63  }
0x17: {  	_ =	swait.ge [sflag:s15], $0x1400  }
0x18: {  	[sflag:s15] =	ssyncset.done $0x0  }
0x19: {  	[sflag:s15] =	ssyncadd.s32 $0xFFFFEC00  }
0x1a: {  	_ =	swait.ge [sflag:s22], $0x1400  }
0x1b: {  	[sflag:s22] =	ssyncset.done $0x0  }
0x1c: {  	[sflag:s22] =	ssyncadd.s32 $0xFFFFEC00  }
0x1d: {  	[spmem:s2] =	stream.indirect.scatter.add.f32 [tilespmem:s20], [sflag:$0x3], $0x40, s24, s18, $0xb8;
	[tilespmem:$0x18440] =	vst v63  }
0x1e: {  	_ =	swait.ge [sflag:s15], $0x1400  }
0x1f: {  	s26 =	sshll.u32 s1, $0x6;
	s25 =	sadd.s32 $0x1, s25;
	[sflag:s15] =	ssyncset.done $0x0  }
0x20: {  	s28 =	sshrl.u32 s8, $0x3;
	p1 =	sne.s32 s25, s10;
	[sflag:s15] =	ssyncadd.s32 $0xFFFFEC00  }
.Ltmp1:
0x21: {  	s26 =	sor.u32 $0x1C03, s26;
	[bflag:$0x0] =	sbarrier.arrive $0xFFFF;
	(pc) =	sbr.rel @!p1 .LBB2_11-.Ltmp1, $4  }
0x22: {  	[hbm:s9], [sflag:s26] =	dma.local [spmem:s28], $0x1400  }
0x23: {  	_ =	swait.ge [sflag:s15], $0x1400  }
0x24: {  	[sflag:s15] =	ssyncset.done $0x0  }
0x25: {  	[sflag:s15] =	ssyncadd.s32 $0xFFFFEC00  }
.LBB2_1:
0x26: {  	[tilespmem:s3], [sflag:$0x3] =	stream.linear.gather [hbm4b:s6+s3], $0x4E20, $0x38;
	[tilespmem:$0x18440] =	vst v63  }
0x27: {  	_ =	swait.ge [sflag:s15], $0x4E20  }
0x28: {  	[sflag:s15] =	ssyncset.done $0x0  }
0x29: {  	[sflag:s15] =	ssyncadd.s32 $0xFFFFB1E0  }
0x2a: {  	[tilespmem:s16], [sflag:$0x3] =	stream.linear.gather [hbm4b:s7+s3], $0x4E20, $0x38;
	[tilespmem:$0x18440] =	vst v63  }
0x2b: {  	_ =	swait.ge [sflag:s15], $0x4E20  }
0x2c: {  	[sflag:s15] =	ssyncset.done $0x0  }
0x2d: {  	s28 =	simm.s32 $0x100;
	s26 =	simm.s32 $0x0;
	[sflag:s15] =	ssyncadd.s32 $0xFFFFB1E0  }
.LBB2_2:
0x2e: {  	p1 =	sne.s32 s28, $0x7F00;
	[tilespmem:s26+$0xC470] =	vst v0;
	s29 =	smov.u32 s28;
	s28 =	sadd.s32 $0x100, s28  }
.Ltmp2:
0x2f: {  	[tilespmem:s26+$0xC460] =	vst v0;
	(pc) =	sbr.rel @p1 .LBB2_2-.Ltmp2, $3  }
0x30: {  	[tilespmem:s26+$0xC440] =	vst v0  }
0x31: {  	[tilespmem:s26+$0xC450] =	vst v0;
	_ =	sdelay $0x1  }
0x32: {  	s26 =	sshra.s32 s29, $0x2  }
0x33: {  	[tilespmem:s26+$0xC470] =	vst v0  }
0x34: {  	[tilespmem:s26+$0xC460] =	vst v0  }
0x35: {  	[tilespmem:s26+$0xC440] =	vst v0  }
0x36: {  	[tilespmem:s26+$0xC450] =	vst v0  }
0x37: {  	[spmem:s8] =	stream.linear.scatter [tilespmem:s17], [sflag:$0x3], $0x2000, $0x38;
	[tilespmem:$0x18440] =	vst v63  }
0x38: {  	_ =	swait.ge [sflag:s15], $0x2000  }
0x39: {  	[sflag:s15] =	ssyncset.done $0x0  }
0x3a: {  	[sflag:s15] =	ssyncadd.s32 $0xFFFFE000  }
0x3b: {  	[spmem:s11] =	stream.linear.scatter [tilespmem:s17], [sflag:$0x3], $0x2000, $0x38;
	[tilespmem:$0x18440] =	vst v63  }
0x3c: {  	_ =	swait.ge [sflag:s15], $0x2000  }
0x3d: {  	[sflag:s15] =	ssyncset.done $0x0  }
0x3e: {  	[sflag:s15] =	ssyncadd.s32 $0xFFFFE000  }
0x3f: {  	[spmem:s12] =	stream.linear.scatter [tilespmem:s17], [sflag:$0x3], $0x2000, $0x38;
	[tilespmem:$0x18440] =	vst v63  }
0x40: {  	_ =	swait.ge [sflag:s15], $0x2000  }
0x41: {  	[sflag:s15] =	ssyncset.done $0x0  }
0x42: {  	[sflag:s15] =	ssyncadd.s32 $0xFFFFE000  }
0x43: {  	[spmem:s13] =	stream.linear.scatter [tilespmem:s17], [sflag:$0x3], $0x2000, $0x38;
	[tilespmem:$0x18440] =	vst v63  }
0x44: {  	_ =	swait.ge [sflag:s15], $0x2000  }
0x45: {  	[sflag:s15] =	ssyncset.done $0x0  }
0x46: {  	[sflag:s15] =	ssyncadd.s32 $0xFFFFE000  }
0x47: {  	[spmem:s14] =	stream.linear.scatter [tilespmem:s17], [sflag:$0x3], $0x2000, $0x38;
	[tilespmem:$0x18440] =	vst v63  }
.Ltmp3:
0x48: {  	_ =	swait.ge [sflag:s15], $0x2000;
	(pc) =	sbr.rel @!p0 .LBB2_4-.Ltmp3, $4  }
0x49: {  	[sflag:s15] =	ssyncset.done $0x0  }
0x4a: {  	[sflag:s15] =	ssyncadd.s32 $0xFFFFE000  }
0x4b: {  	[bflag:$0x0] =	sbarrier.arrive $0xFFFF  }
0x4c: {  	s26 =	simm.s32 $0x0  }
0x4d: {  	[tilespmem:s19], [sflag:$0x1] =	stream.indirect.gather [hbm4b:s5+s18], $0x40, s26, s18, $0xb8;
	[tilespmem:$0x18440] =	vst v63  }
0x4e: {  	_ = 	snop  }
0x4f: {  	[tilespmem:s20], [sflag:$0x2] =	stream.indirect.gather [hbm4b:s5+s18], $0x40, s18, s18, $0xb8;
	[tilespmem:$0x18440] =	vst v63  }
0x50: {  	_ =	swait.ge [sflag:s21], $0x1400  }
0x51: {  	[sflag:s21] =	ssyncset.done $0x0  }
0x52: {  	s29 =	simm.s32 $0x4E20;
	[sflag:s21] =	ssyncadd.s32 $0xFFFFEC00  }
0x53: {  	[spmem:s2] =	stream.indirect.scatter.add.f32 [tilespmem:s19], [sflag:$0x3], $0x40, s29, s18, $0xb8;
	[tilespmem:$0x18440] =	vst v63  }
0x54: {  	_ =	swait.ge [sflag:s15], $0x1400  }
0x55: {  	[sflag:s15] =	ssyncset.done $0x0  }
0x56: {  	s30 =	simm.s32 $0xA0;
	[sflag:s15] =	ssyncadd.s32 $0xFFFFEC00  }
0x57: {  	[tilespmem:s19], [sflag:$0x1] =	stream.indirect.gather [hbm4b:s5+s18], $0x40, s30, s18, $0xb8;
	[tilespmem:$0x18440] =	vst v63  }
0x58: {  	_ =	swait.ge [sflag:s22], $0x1400  }
0x59: {  	[sflag:s22] =	ssyncset.done $0x0  }
0x5a: {  	s31 =	simm.s32 $0x4E70;
	[sflag:s22] =	ssyncadd.s32 $0xFFFFEC00  }
0x5b: {  	[spmem:s2] =	stream.indirect.scatter.add.f32 [tilespmem:s20], [sflag:$0x3], $0x40, s31, s18, $0xb8;
	[tilespmem:$0x18440] =	vst v63  }
0x5c: {  	_ =	swait.ge [sflag:s15], $0x1400  }
0x5d: {  	[sflag:s15] =	ssyncset.done $0x0  }
0x5e: {  	s26 =	simm.s32 $0x280;
	s28 =	simm.s32 $0xF0;
	[sflag:s15] =	ssyncadd.s32 $0xFFFFEC00  }
.LBB2_8:
0x5f: {  	[tilespmem:s20], [sflag:$0x2] =	stream.indirect.gather [hbm4b:s5+s18], $0x40, s28, s18, $0xb8;
	[tilespmem:$0x18440] =	vst v63  }
0x60: {  	s28 =	smov.u32 s26  }
0x61: {  	p1 =	sne.s32 s26, $0x13380;
	s26 =	sadd.s32 $0x280, s26;
	_ =	swait.ge [sflag:s21], $0x1400  }
0x62: {  	s28 =	sshra.s32 s28, $0x2;
	[sflag:s21] =	ssyncset.done $0x0  }
0x63: {  	s29 =	sadd.s32 $0x4E20, s28;
	[sflag:s21] =	ssyncadd.s32 $0xFFFFEC00  }
0x64: {  	[spmem:s2] =	stream.indirect.scatter.add.f32 [tilespmem:s19], [sflag:$0x3], $0x40, s29, s18, $0xb8;
	[tilespmem:$0x18440] =	vst v63  }
0x65: {  	_ =	swait.ge [sflag:s15], $0x1400  }
0x66: {  	[sflag:s15] =	ssyncset.done $0x0  }
0x67: {  	s29 =	sadd.s32 $0xA0, s28;
	[sflag:s15] =	ssyncadd.s32 $0xFFFFEC00  }
0x68: {  	[tilespmem:s19], [sflag:$0x1] =	stream.indirect.gather [hbm4b:s5+s18], $0x40, s29, s18, $0xb8;
	[tilespmem:$0x18440] =	vst v63  }
0x69: {  	_ =	swait.ge [sflag:s22], $0x1400  }
0x6a: {  	[sflag:s22] =	ssyncset.done $0x0  }
.Ltmp4:
0x6b: {  	s29 =	sadd.s32 $0x4E70, s28;
	[sflag:s22] =	ssyncadd.s32 $0xFFFFEC00;
	(pc) =	sbr.rel @p1 .LBB2_8-.Ltmp4, $4  }
0x6c: {  	[spmem:s2] =	stream.indirect.scatter.add.f32 [tilespmem:s20], [sflag:$0x3], $0x40, s29, s18, $0xb8;
	[tilespmem:$0x18440] =	vst v63  }
0x6d: {  	_ =	swait.ge [sflag:s15], $0x1400  }
0x6e: {  	[sflag:s15] =	ssyncset.done $0x0  }
0x6f: {  	s28 =	sadd.s32 $0xF0, s28;
	[sflag:s15] =	ssyncadd.s32 $0xFFFFEC00  }
.Ltmp5:
0x70: {  	(pc) =	sbr.rel .LBB2_10-.Ltmp5, $2  }
0x71: {  	_ =	sdelay $0x2  }
0x72: {  	[tilespmem:s20], [sflag:$0x2] =	stream.indirect.gather [hbm4b:s5+s18], $0x40, s28, s18, $0xb8;
	[tilespmem:$0x18440] =	vst v63  }
.LBB2_4:
0x73: {  	[tilespmem:s19], [sflag:$0x1] =	stream.indirect.gather [hbm4b:s4+s18], $0x40, s26, s18, $0xb8;
	[tilespmem:$0x18440] =	vst v63  }
0x74: {  	_ = 	snop  }
0x75: {  	[tilespmem:s20], [sflag:$0x2] =	stream.indirect.gather [hbm4b:s4+s18], $0x40, s18, s18, $0xb8;
	[tilespmem:$0x18440] =	vst v63  }
0x76: {  	_ =	swait.ge [sflag:s21], $0x1400  }
0x77: {  	[sflag:s21] =	ssyncset.done $0x0  }
0x78: {  	s29 =	simm.s32 $0x4E20;
	[sflag:s21] =	ssyncadd.s32 $0xFFFFEC00  }
0x79: {  	[spmem:s2] =	stream.indirect.scatter.add.f32 [tilespmem:s19], [sflag:$0x3], $0x40, s29, s18, $0xb8;
	[tilespmem:$0x18440] =	vst v63  }
0x7a: {  	_ =	swait.ge [sflag:s15], $0x1400  }
0x7b: {  	[sflag:s15] =	ssyncset.done $0x0  }
0x7c: {  	s30 =	simm.s32 $0xA0;
	[sflag:s15] =	ssyncadd.s32 $0xFFFFEC00  }
0x7d: {  	[tilespmem:s19], [sflag:$0x1] =	stream.indirect.gather [hbm4b:s4+s18], $0x40, s30, s18, $0xb8;
	[tilespmem:$0x18440] =	vst v63  }
0x7e: {  	_ =	swait.ge [sflag:s22], $0x1400  }
0x7f: {  	[sflag:s22] =	ssyncset.done $0x0  }
0x80: {  	s31 =	simm.s32 $0x4E70;
	[sflag:s22] =	ssyncadd.s32 $0xFFFFEC00  }
0x81: {  	[spmem:s2] =	stream.indirect.scatter.add.f32 [tilespmem:s20], [sflag:$0x3], $0x40, s31, s18, $0xb8;
	[tilespmem:$0x18440] =	vst v63  }
0x82: {  	_ =	swait.ge [sflag:s15], $0x1400  }
0x83: {  	[sflag:s15] =	ssyncset.done $0x0  }
0x84: {  	s26 =	simm.s32 $0x280;
	s28 =	simm.s32 $0xF0;
	[sflag:s15] =	ssyncadd.s32 $0xFFFFEC00  }
.LBB2_5:
0x85: {  	[tilespmem:s20], [sflag:$0x2] =	stream.indirect.gather [hbm4b:s4+s18], $0x40, s28, s18, $0xb8;
	[tilespmem:$0x18440] =	vst v63  }
0x86: {  	s28 =	smov.u32 s26  }
0x87: {  	p1 =	seq.s32 s26, $0x13380;
	s26 =	sadd.s32 $0x280, s26;
	_ =	swait.ge [sflag:s21], $0x1400  }
0x88: {  	s28 =	sshra.s32 s28, $0x2;
	[sflag:s21] =	ssyncset.done $0x0  }
0x89: {  	s29 =	sadd.s32 $0x4E20, s28;
	[sflag:s21] =	ssyncadd.s32 $0xFFFFEC00  }
0x8a: {  	[spmem:s2] =	stream.indirect.scatter.add.f32 [tilespmem:s19], [sflag:$0x3], $0x40, s29, s18, $0xb8;
	[tilespmem:$0x18440] =	vst v63  }
0x8b: {  	_ =	swait.ge [sflag:s15], $0x1400  }
0x8c: {  	[sflag:s15] =	ssyncset.done $0x0  }
0x8d: {  	s29 =	sadd.s32 $0xA0, s28;
	[sflag:s15] =	ssyncadd.s32 $0xFFFFEC00  }
0x8e: {  	[tilespmem:s19], [sflag:$0x1] =	stream.indirect.gather [hbm4b:s4+s18], $0x40, s29, s18, $0xb8;
	[tilespmem:$0x18440] =	vst v63  }
0x8f: {  	_ =	swait.ge [sflag:s22], $0x1400  }
0x90: {  	[sflag:s22] =	ssyncset.done $0x0  }
.Ltmp6:
0x91: {  	s29 =	sadd.s32 $0x4E70, s28;
	[sflag:s22] =	ssyncadd.s32 $0xFFFFEC00;
	(pc) =	sbr.rel @!p1 .LBB2_5-.Ltmp6, $4  }
0x92: {  	[spmem:s2] =	stream.indirect.scatter.add.f32 [tilespmem:s20], [sflag:$0x3], $0x40, s29, s18, $0xb8;
	[tilespmem:$0x18440] =	vst v63  }
0x93: {  	_ =	swait.ge [sflag:s15], $0x1400  }
0x94: {  	[sflag:s15] =	ssyncset.done $0x0  }
0x95: {  	s28 =	sadd.s32 $0xF0, s28;
	[sflag:s15] =	ssyncadd.s32 $0xFFFFEC00  }
.Ltmp7:
0x96: {  	_ = 	snop;
	(pc) =	sbr.rel .LBB2_6-.Ltmp7, $1  }
0x97: {  	_ =	sdelay $0x3  }
.LBB2_11:
0x98: {  	_ =	sfence.sel $0x180000  }
0x99: {  	[bflag:$0x0] =	sbarrier.arrive $0xFFFF  }
0x9a: {  	p0 =	sne.s32 s1, $0x0;
	_ =	strace $0x9000004D  }
0x9b: {  	s0 =	sadd.s32 @!p0 $0x100000, s0;
	[bflag:$0x2] =	sbarrier.arrive $0xFFFF  }
0x9c: {  	[sflag:s0] =	ssyncadd.tile.s32 @!p0 $0x1;
	_ =	shalt  }
.Lfunc_end2:
_tile_overlayer_lowered:
.L_overlay_start_2:
0x9d: {  	(tag) =	ssettag $0x2  }
0x9e: {  	s0 =	rddreg [dreg:$0x0];
	s2 =	stileid.u32  }
0x9f: {  	s1 =	rddreg [dreg:$0x1];
	p0 =	sne.s32 s2, $0x0  }
0xa0: {  	s3 =	rddreg [dreg:$0x2];
	[bflag:$0x3] =	sbarrier.arrive $0xFFFF;
	s2 =	simm.s32 @!p0 $0x1C03  }
0xa1: {  	[timem:s3], [sflag:s2] =	dma.local @!p0 [hbm:s0], s1  }
0xa2: {  	s0 =	simm.s32 @!p0 $0x3  }
0xa3: {  	_ =	swait.ge @!p0 [sflag:s0], s1  }
0xa4: {  	s1 =	ssub.s32 @!p0 $0x0, s1;
	[sflag:s0] =	ssyncset.done @!p0 $0x0  }
0xa5: {  	[sflag:s0] =	ssyncadd.s32 @!p0 s1  }
0xa6: {  	[bflag:$0x3] =	sbarrier.arrive $0xFFFF  }
0xa7: {  	_ =	shalt  }

// kernel: kernel.8.cloned.1.call-start
scs
__scs_entry_jumppad:
0x0: {  	(pc) =	sbr.rel $0x88, $3  }
0x1: {  	(tag) =	ssettag $0x0;
	lr =	simm.s32 $0x1  }
0x2: {  	[smem:$0x3F99] =	sst lr;
	_ =	strace $0xD0000000  }
0x3: {  	_ = 	snop  }
0x4: {  	_ = 	snop  }
0x5: {  	_ = 	snop  }
0x6: {  	_ = 	snop  }
0x7: {  	_ = 	snop  }
__scs_overlays_trampoline_lowered:
0x8: {  	[smem:$0x3FA8] =	sst s0  }
0x9: {  	[smem:$0x3FA9] =	sst s1  }
0xa: {  	[smem:$0x3FAA] =	sst s2  }
0xb: {  	[smem:$0x3FAB] =	sst s3  }
0xc: {  	[smem:$0x3FAC] =	sst s4  }
0xd: {  	[smem:$0x3FAD] =	sst s5  }
0xe: {  	[smem:$0x3FAE] =	sst s6  }
0xf: {  	[smem:$0x3FAF] =	sst s7  }
0x10: {  	[smem:$0x3FB0] =	sst s8  }
0x11: {  	[smem:$0x3FB1] =	sst s9;
	s0 =	simm.s32 @!p0 $0x0  }
0x12: {  	s1 =	sld [smem:$0x3F97];
	s0 =	simm.s32 @p0 $0x1  }
0x13: {  	[smem:$0x3FB2] =	sst s0;
	s0 =	simm.s32 @!p1 $0x0  }
0x14: {  	s2 =	sld [smem:$0x3F96];
	s0 =	simm.s32 @p1 $0x1  }
0x15: {  	[smem:$0x3FB3] =	sst s0;
	s0 =	simm.s32 @!p2 $0x0  }
0x16: {  	s3 =	sld [smem:$0x3FDB];
	s0 =	simm.s32 @p2 $0x1  }
0x17: {  	s4 =	simm.s32 $0x1BF5;
	[smem:$0x3FB5] =	sst s0  }
0x18: {  	s0 =	sld [smem:$0x3F98];
	_ =	swait.ge [sflag:s4], $0x0  }
0x19: {  	s7 =	sld [smem:$0x3F99]  }
0x1a: {  	s8 =	sadd.s32 $0xFFFFE003, lr  }
0x1b: {  	s9 =	sadd.s32 $0xFFFFFEF7, lr;
	s5 =	simm.s32 $0xFFFFFFFF;
	p2 =	slt.u32 s8, $0xFFFFF086  }
0x1c: {  	p1 =	slt.u32 s9, $0xF7A;
	s5 =	simm.s32 @!p2 $0x0  }
0x1d: {  	s5 =	simm.s32 @p1 $0x1;
	p0 =	seq.s32 s7, s2  }
0x1e: {  	s7 =	smul.u32 @!p0 $0xF7A, s2;
	p2 =	seq.s32 @!p0 s5, $0x0  }
0x1f: {  	s9 =	smul.u32 $0xF7A, s1;
	s8 =	simm.s32 @!p0 $0x1BF5;
	p2 =	por !p2, p0  }
0x20: {  	[sflag:s8] =	ssyncset.s32 @!p0 $0xFFFFF086;
	s6 =	sadd.s32 @!p0 s3, s7;
	s7 =	simm.s32 @!p0 $0x108  }
0x21: {  	s3 =	sadd.s32 s3, s9;
	s6 =	sadd.s32 @!p0 $0x88, s6;
	s7 =	simm.s32 @p2 $0x1082  }
0x22: {  	[simem:s7], [sflag:s8] =	dma.local @!p0 [hbm:s6], $0xF7A  }
0x23: {  	s9 =	sor.u32 $0xD0000000, s2;
	s6 =	simm.s32 $0x108;
	_ =	swait.ge @!p0 [sflag:s8], $0x0  }
0x24: {  	s3 =	sadd.s32 $0x88, s3;
	s6 =	simm.s32 @!p1 $0x1082;
	[sflag:s4] =	ssyncset.s32 $0xFFFFF086  }
0x25: {  	[simem:s6], [sflag:s4] =	dma.local [hbm:s3], $0xF7A  }
0x26: {  	[smem:$0x3F99] =	sst s1;
	(tag) =	ssettag s2;
	_ =	strace s9  }
0x27: {  	s1 =	sld [smem:$0x3FA9]  }
0x28: {  	s2 =	sld [smem:$0x3FAA]  }
0x29: {  	s4 =	sld [smem:$0x3FAC]  }
0x2a: {  	p0 =	seq.s32 s5, $0x0;
	s5 =	sld [smem:$0x3FAD]  }
0x2b: {  	s6 =	sld [smem:$0x3FAE]  }
0x2c: {  	s7 =	sld [smem:$0x3FAF]  }
0x2d: {  	s3 =	simm.s32 $0x108;
	s8 =	sld [smem:$0x3FB0]  }
0x2e: {  	s3 =	simm.s32 @!p0 $0x1082;
	s9 =	sld [smem:$0x3FB1]  }
0x2f: {  	lr =	sadd.s32 s0, s3;
	s0 =	sld [smem:$0x3FA8]  }
0x30: {  	s3 =	sld [smem:$0x3FAB]  }
0x31: {  	[smem:$0x3FB4] =	sst s10  }
0x32: {  	s10 =	sld [smem:$0x3FB2];
	_ =	sdelay $0x3  }
0x33: {  	p0 =	seq.s32 s10, $0x1;
	s10 =	sld [smem:$0x3FB4];
	_ =	sdelay $0x3  }
0x34: {  	[smem:$0x3FB4] =	sst s10  }
0x35: {  	s10 =	sld [smem:$0x3FB3];
	_ =	sdelay $0x3  }
0x36: {  	p1 =	seq.s32 s10, $0x1;
	s10 =	sld [smem:$0x3FB4];
	_ =	sdelay $0x3  }
0x37: {  	[smem:$0x3FB4] =	sst s10  }
0x38: {  	s10 =	sld [smem:$0x3FB5]  }
0x39: {  	_ = 	snop;
	(pc) =	sbr.ind lr, $3  }
0x3a: {  	_ = 	snop  }
0x3b: {  	_ = 	snop  }
0x3c: {  	p2 =	seq.s32 s10, $0x1;
	s10 =	sld [smem:$0x3FB4]  }
0x3d: {  	_ =	shalt  }
0x3e: {  	_ =	shalt  }
0x3f: {  	_ =	shalt  }
0x40: {  	_ =	shalt  }
0x41: {  	_ =	shalt  }
0x42: {  	_ =	shalt  }
0x43: {  	_ =	shalt  }
0x44: {  	_ =	shalt  }
0x45: {  	_ =	shalt  }
0x46: {  	_ =	shalt  }
0x47: {  	_ =	shalt  }
0x48: {  	_ =	shalt  }
0x49: {  	_ =	shalt  }
0x4a: {  	_ =	shalt  }
0x4b: {  	_ =	shalt  }
0x4c: {  	_ =	shalt  }
0x4d: {  	_ =	shalt  }
0x4e: {  	_ =	shalt  }
0x4f: {  	_ =	shalt  }
0x50: {  	_ =	shalt  }
0x51: {  	_ =	shalt  }
0x52: {  	_ =	shalt  }
0x53: {  	_ =	shalt  }
0x54: {  	_ =	shalt  }
0x55: {  	_ =	shalt  }
0x56: {  	_ =	shalt  }
0x57: {  	_ =	shalt  }
0x58: {  	_ =	shalt  }
0x59: {  	_ =	shalt  }
0x5a: {  	_ =	shalt  }
0x5b: {  	_ =	shalt  }
0x5c: {  	_ =	shalt  }
0x5d: {  	_ =	shalt  }
0x5e: {  	_ =	shalt  }
0x5f: {  	_ =	shalt  }
0x60: {  	_ =	shalt  }
0x61: {  	_ =	shalt  }
0x62: {  	_ =	shalt  }
0x63: {  	_ =	shalt  }
0x64: {  	_ =	shalt  }
0x65: {  	_ =	shalt  }
0x66: {  	_ =	shalt  }
0x67: {  	_ =	shalt  }
0x68: {  	_ =	shalt  }
0x69: {  	_ =	shalt  }
0x6a: {  	_ =	shalt  }
0x6b: {  	_ =	shalt  }
0x6c: {  	_ =	shalt  }
0x6d: {  	_ =	shalt  }
0x6e: {  	_ =	shalt  }
0x6f: {  	_ =	shalt  }
0x70: {  	_ =	shalt  }
0x71: {  	_ =	shalt  }
0x72: {  	_ =	shalt  }
0x73: {  	_ =	shalt  }
0x74: {  	_ =	shalt  }
0x75: {  	_ =	shalt  }
0x76: {  	_ =	shalt  }
0x77: {  	_ =	shalt  }
0x78: {  	_ =	shalt  }
0x79: {  	_ =	shalt  }
0x7a: {  	_ =	shalt  }
0x7b: {  	_ =	shalt  }
0x7c: {  	_ =	shalt  }
0x7d: {  	_ =	shalt  }
0x7e: {  	_ =	shalt  }
0x7f: {  	_ =	shalt  }
0x80: {  	_ =	shalt  }
0x81: {  	_ =	shalt  }
0x82: {  	_ =	shalt  }
0x83: {  	_ =	shalt  }
0x84: {  	_ =	shalt  }
0x85: {  	_ =	shalt  }
0x86: {  	_ =	shalt  }
0x87: {  	_ =	shalt  }
.Lfunc_end0:
.L_simem_size_0:
called_computation_lowered:
.L_overlay_start_0:
0x88: {  	s2 =	sld [smem:$0x3FD9]  }
0x89: {  	s3 =	sld [smem:$0x3FFE];
	_ =	sdelay $0x1  }
0x8a: {  	s1 =	srdreg.scid  }
0x8b: {  	s0 =	sand.u32 $0x1, s1  }
0x8c: {  	s16 =	sshll.u32 s0, $0xA;
	s2 =	sadd.s32 s3, s2  }
0x8d: {  	s2 =	sadd.s32 s2, s16  }
0x8e: {  	[smem:$0x3FC0] =	sst s2  }
0x8f: {  	_ = 	snop  }
0x90: {  	(tm) =	ssettm $0x1  }
0x91: {  	s17 =	sld [smem:$0x3FFB];
	_ =	sdelay $0x3  }
0x92: {  	_ =	strace s17  }
0x93: {  	s2 =	sld [smem:$0x3FFC];
	_ =	sdelay $0x3  }
0x94: {  	_ =	strace s2  }
0x95: {  	s2 =	sld [smem:$0x3FFD];
	_ =	sdelay $0x3  }
0x96: {  	_ =	strace s2  }
0x97: {  	_ =	strace $0x8FFFFFFF  }
0x98: {  	s18 =	sld [smem:$0x3FDB];
	_ =	sdelay $0x1  }
0x99: {  	s19 =	simm.s32 $_scs_section_size  }
0x9a: {  	s4 =	simm.s32 $_size__tile_overlayer_lowered;
	s5 =	simm.s32 $_tile_overlayer_lowered  }
0x9b: {  	s22 =	simm.s32 $0x1BFF;
	s21 =	sshll.u32 s5, $0x1;
	s2 =	sadd.s32 s19, s18  }
0x9c: {  	s6 =	simm.s32 $0x0;
	s20 =	sshll.u32 s4, $0x1;
	s4 =	sadd.s32 s21, s2  }
0x9d: {  	[timem:s6], [sflag:s22] =	dma.local [hbm:s4], s20  }
0x9e: {  	_ =	swait.ge [sflag:s22], s20  }
0x9f: {  	s3 =	ssub.s32 $0x0, s20;
	[sflag:s22] =	ssyncset.done $0x0  }
0xa0: {  	[sflag:s22] =	ssyncadd.s32 s3;
	_ =	sdelay $0x1  }
0xa1: {  	s23 =	simm.s32 $0x1B8B  }
0xa2: {  	_ =	swait.ge [sflag:s23], $0x1  }
0xa3: {  	[sflag:s23] =	ssyncset.done $0x0  }
0xa4: {  	s25 =	simm.s32 $0x1B8E;
	s24 =	sld [smem:$0x3FFE];
	[sflag:s23] =	ssyncadd.s32 $0xFFFFFFFF  }
0xa5: {  	s26 =	simm.s32 $execute0_lowered;
	[smem:$0x3FD2] =	sst s25  }
0xa6: {  	s4 =	sshll.u32 s26, $0x1;
	_ =	strace $0x80000046;
	[dreg:$0x1] =	wrdreg $0xFFFFFFFF  }
0xa7: {  	s28 =	simm.s32 $_size_execute0_lowered;
	s2 =	sadd.s32 s2, s4;
	[dreg:$0x0] =	wrdreg $0x0  }
0xa8: {  	s4 =	sshll.u32 s28, $0x1;
	[dreg:$0x2] =	wrdreg s2  }
0xa9: {  	[dreg:$0x3] =	wrdreg s4  }
0xaa: {  	[dreg:$0x4] =	wrdreg $0xC0  }
0xab: {  	_ =	task [dreg:s6], $0x5FFFF  }
0xac: {  	[dreg:$0x1] =	wrdreg $0xFFFFFFFF  }
0xad: {  	[dreg:$0x0] =	wrdreg $0x60  }
0xae: {  	[dreg:$0x2] =	wrdreg s24  }
0xaf: {  	[dreg:$0x3] =	wrdreg $0x5B200  }
0xb0: {  	[dreg:$0x4] =	wrdreg $0x9  }
0xb1: {  	_ =	task.clear_ibuf [dreg:s6], $0x5FFFF;
	_ =	strace $0x90000046  }
0xb2: {  	s29 =	simm.s32 $0x9;
	_ =	strace $0x80000048  }
0xb3: {  	_ =	swait.ge [sflag:s29], $0x1  }
0xb4: {  	[sflag:s29] =	ssyncadd.s32 $0xFFFFFFFF  }
0xb5: {  	_ =	strace $0x90000048  }
0xb6: {  	_ =	sfence  }
0xb7: {  	s30 =	sld [smem:$0x0];
	_ =	sdelay $0x2  }
0xb8: {  	s31 =	sshll.u32 s1, $0xD;
	s1 =	sshrl.u32 s1, $0x2  }
0xb9: {  	s3 =	sand.u32 $0x4000, s31;
	s1 =	sadd.s32 s1, s30  }
0xba: {  	s0 =	sor.u32 s3, s0;
	s1 =	sshll.u32 s1, $0x11  }
0xbb: {  	s0 =	sor.u32 s1, s0  }
0xbc: {  	s0 =	sadd.s32 $0x8F2B, s0  }
0xbd: {  	[sflag:s0] =	ssyncadd.remote.s32 $0x1  }
0xbe: {  	_ =	sfence.sel $0xFFFF  }
0xbf: {  	[dreg:$0x0] =	wrdreg $0xFFFFFFFF;
	(pc) =	sbr.abs _section_cstart, $3  }
0xc0: {  	[dreg:$0x1] =	wrdreg $0xFFFFFFFF  }
0xc1: {  	_ =	task.clear_ibuf [dreg:s6], $0x2FFFF;
	_ =	strace $0x9FFFFFFF  }
0xc2: {  	(tm) =	ssettm $0x7FFFFFFF  }
0xc3: {  	_ =	shalt  }
tec
execute0_lowered:
.L_overlay_start_1:
0x0: {  	(tag) =	ssettag $0x1  }
0x1: {  	s4 =	rddreg [dreg:$0x0]  }
0x2: {  	s1 =	rddreg [dreg:$0x1];
	s2 =	srdreg.scid  }
0x3: {  	s0 =	rddreg [dreg:$0x2];
	s3 =	simm.s32 $0x0;
	s9 =	sand.u32 $0x1, s2  }
0x4: {  	s13 =	simm.s32 $0x1;
	s2 =	stileid.u32;
	s5 =	smul.u32 $0x5000, s9  }
0x5: {  	s14 =	simm.s32 $0x5320;
	s15 =	simm.s32 $0x50;
	s6 =	smul.u32 $0x500, s2  }
0x6: {  	s16 =	simm.s32 $0x4E20;
	[smem:$0x7FF] =	sst s3;
	s7 =	smul.u32 $0x4E20, s2  }
0x7: {  	s19 =	simm.s32 $0x0;
	_ =	strace $0x80000047;
	s8 =	smul.u32 $0xA000, s2  }
0x8: {  	s29 =	ssub.s32 $0x2, s9;
	s12 =	smul.u32 $0x9C40, s9;
	s17 =	sshll.u32 s2, $0x6  }
0x9: {  	s30 =	sshrl.u32 s29, $0x1;
	s17 =	sor.u32 $0x1C01, s17;
	s5 =	sadd.s32 s6, s5  }
0xa: {  	s7 =	sshrl.u32 s7, $0x3;
	s11 =	ssub.s32 s29, s30;
	s31 =	sshrl.u32 s8, $0x2  }
0xb: {  	s12 =	sshrl.u32 s12, $0x2;
	s10 =	sadd.s32 s5, s4;
	s4 =	sadd.s32 s4, s7  }
0xc: {  	s5 =	sadd.s32 s31, s1;
	s7 =	smax.u32 s11, $0x1;
	s4 =	sadd.s32 $0xCC40, s4  }
0xd: {  	s6 =	sadd.s32 $0x16A00, s10;
	s8 =	sadd.s32 $0x800, s5;
	s9 =	sadd.s32 $0x1000, s5  }
0xe: {  	v0 =	vimm.f32 $1.000000000e+00;
	v1 =	vimm.f32 $0.0e+00;
	s10 =	sadd.s32 $0x1800, s5;
	s11 =	sadd.s32 $0x2000, s5;
	s18 =	sshrl.u32 s5, $0x3  }
.LBB2_1:
0xf: {  	[tilespmem:s3], [sflag:$0x1] =	stream.linear.gather [hbm4b:s4+s3], $0x4E20, $0x38;
	[tilespmem:$0x8320] =	vst v63  }
0x10: {  	_ =	swait.ge [sflag:s13], $0x4E20  }
0x11: {  	[sflag:s13] =	ssyncset.done $0x0  }
0x12: {  	s20 =	simm.s32 $0x0;
	[sflag:s13] =	ssyncadd.s32 $0xFFFFB1E0  }
.LBB2_2:
0x13: {  	p0 =	sne.s32 s20, $0x13C0  }
.Ltmp0:
0x14: {  	_ = 	snop;
	(pc) =	sbr.rel @p0 .LBB2_2-.Ltmp0, $3  }
0x15: {  	_ =	sdelay $0x1  }
0x16: {  	s21 =	sshra.s32 s20, $0x2  }
0x17: {  	s20 =	sadd.s32 $0x40, s20;
	[tilespmem:s21+$0x4E20] =	vst v0  }
0x18: {  	s20 =	simm.s32 $0x40;
	s21 =	simm.s32 $0x0  }
.LBB2_4:
0x19: {  	p0 =	sne.s32 s20, $0x1FC0;
	[tilespmem:s21+$0x5320] =	vst v1;
	s21 =	smov.u32 s20;
	s20 =	sadd.s32 $0x40, s20  }
.Ltmp1:
0x1a: {  	(pc) =	sbr.rel @p0 .LBB2_4-.Ltmp1, $2  }
0x1b: {  	_ =	sdelay $0x2  }
0x1c: {  	s21 =	sshra.s32 s21, $0x2  }
0x1d: {  	[tilespmem:s21+$0x5320] =	vst v1  }
0x1e: {  	[spmem:s5] =	stream.linear.scatter [tilespmem:s14], [sflag:$0x1], $0x800, $0x38;
	[tilespmem:$0x8320] =	vst v63  }
0x1f: {  	_ =	swait.ge [sflag:s13], $0x800  }
0x20: {  	[sflag:s13] =	ssyncset.done $0x0  }
0x21: {  	[sflag:s13] =	ssyncadd.s32 $0xFFFFF800  }
0x22: {  	[spmem:s8] =	stream.linear.scatter [tilespmem:s14], [sflag:$0x1], $0x800, $0x38;
	[tilespmem:$0x8320] =	vst v63  }
0x23: {  	_ =	swait.ge [sflag:s13], $0x800  }
0x24: {  	[sflag:s13] =	ssyncset.done $0x0  }
0x25: {  	[sflag:s13] =	ssyncadd.s32 $0xFFFFF800  }
0x26: {  	[spmem:s9] =	stream.linear.scatter [tilespmem:s14], [sflag:$0x1], $0x800, $0x38;
	[tilespmem:$0x8320] =	vst v63  }
0x27: {  	_ =	swait.ge [sflag:s13], $0x800  }
0x28: {  	[sflag:s13] =	ssyncset.done $0x0  }
0x29: {  	[sflag:s13] =	ssyncadd.s32 $0xFFFFF800  }
0x2a: {  	[spmem:s10] =	stream.linear.scatter [tilespmem:s14], [sflag:$0x1], $0x800, $0x38;
	[tilespmem:$0x8320] =	vst v63  }
0x2b: {  	_ =	swait.ge [sflag:s13], $0x800  }
0x2c: {  	[sflag:s13] =	ssyncset.done $0x0  }
0x2d: {  	[sflag:s13] =	ssyncadd.s32 $0xFFFFF800  }
0x2e: {  	[spmem:s11] =	stream.linear.scatter [tilespmem:s14], [sflag:$0x1], $0x800, $0x38;
	[tilespmem:$0x8320] =	vst v63  }
0x2f: {  	_ =	swait.ge [sflag:s13], $0x800  }
0x30: {  	[sflag:s13] =	ssyncset.done $0x0  }
0x31: {  	[sflag:s13] =	ssyncadd.s32 $0xFFFFF800  }
0x32: {  	s20 =	sadd.s32 $0x0, s12;
	[bflag:$0x0] =	sbarrier.arrive $0xFFFF  }
0x33: {  	[spmem:s1] =	stream.indirect.scatter.add.f32 [tilespmem:s16], [sflag:$0x1], $0x10, s20, s15, $0xb8;
	[tilespmem:$0x8320] =	vst v63  }
0x34: {  	s20 =	simm.s32 $0x140;
	_ =	swait.ge [sflag:s13], $0x500  }
.LBB2_6:
0x35: {  	s21 =	sshra.s32 s20, $0x2;
	[sflag:s13] =	ssyncset.done $0x0;
	p0 =	sne.s32 s20, $0x9B00  }
.Ltmp2:
0x36: {  	s21 =	sadd.s32 s21, s12;
	[sflag:s13] =	ssyncadd.s32 $0xFFFFFB00;
	(pc) =	sbr.rel @p0 .LBB2_6-.Ltmp2, $3  }
0x37: {  	[spmem:s1] =	stream.indirect.scatter.add.f32 [tilespmem:s16], [sflag:$0x1], $0x10, s21, s15, $0xb8;
	[tilespmem:$0x8320] =	vst v63  }
0x38: {  	s20 =	sadd.s32 $0x140, s20;
	_ =	sdelay $0x1  }
0x39: {  	_ =	swait.ge [sflag:s13], $0x500  }
0x3a: {  	[sflag:s13] =	ssyncset.done $0x0;
	s19 =	sadd.s32 $0x1, s19  }
0x3b: {  	[sflag:s13] =	ssyncadd.s32 $0xFFFFFB00;
	p0 =	sne.s32 s19, s7  }
.Ltmp3:
0x3c: {  	[bflag:$0x0] =	sbarrier.arrive $0xFFFF;
	(pc) =	sbr.rel @p0 .LBB2_1-.Ltmp3, $4  }
0x3d: {  	[hbm:s6], [sflag:s17] =	dma.local [spmem:s18], $0x500  }
0x3e: {  	_ =	swait.ge [sflag:s13], $0x500  }
0x3f: {  	[sflag:s13] =	ssyncset.done $0x0  }
0x40: {  	[sflag:s13] =	ssyncadd.s32 $0xFFFFFB00  }
0x41: {  	_ =	sfence.sel $0x180000  }
0x42: {  	[bflag:$0x0] =	sbarrier.arrive $0xFFFF  }
0x43: {  	p0 =	sne.s32 s2, $0x0;
	_ =	strace $0x90000047  }
0x44: {  	s0 =	sadd.s32 @!p0 $0x100000, s0;
	[bflag:$0x2] =	sbarrier.arrive $0xFFFF  }
0x45: {  	[sflag:s0] =	ssyncadd.tile.s32 @!p0 $0x1;
	_ =	shalt  }
.Lfunc_end2:
_tile_overlayer_lowered:
.L_overlay_start_2:
0x46: {  	(tag) =	ssettag $0x2  }
0x47: {  	s0 =	rddreg [dreg:$0x0];
	s2 =	stileid.u32  }
0x48: {  	s1 =	rddreg [dreg:$0x1];
	p0 =	sne.s32 s2, $0x0  }
0x49: {  	s3 =	rddreg [dreg:$0x2];
	[bflag:$0x3] =	sbarrier.arrive $0xFFFF;
	s2 =	simm.s32 @!p0 $0x1C01  }
0x4a: {  	[timem:s3], [sflag:s2] =	dma.local @!p0 [hbm:s0], s1  }
0x4b: {  	s0 =	simm.s32 @!p0 $0x1  }
0x4c: {  	_ =	swait.ge @!p0 [sflag:s0], s1  }
0x4d: {  	s1 =	ssub.s32 @!p0 $0x0, s1;
	[sflag:s0] =	ssyncset.done @!p0 $0x0  }
0x4e: {  	[sflag:s0] =	ssyncadd.s32 @!p0 s1  }
0x4f: {  	[bflag:$0x3] =	sbarrier.arrive $0xFFFF  }
0x50: {  	_ =	shalt  }

</sc_bundles>
